<compile_context>
chip_gen: v7x
topology: tpu7x:2x2x1
jax: 0.10.2.dev20260603
libtpu: 0.0.44.dev20260713+nightly
codegen_flags: <defaults>
</compile_context>

<pallas_src>
import functools

import jax
import jax.numpy as jnp
from jax import lax
from jax.experimental import pallas as pl
from jax.experimental.pallas import tpu as pltpu
from jax.experimental.pallas import tpu_sc as plsc

_B = 4
_C = 64
_HW = 1024
_N = _B * _HW
_K = 512
_BETA = 0.25
_NCAND = 3


def _grouped_tree_sum(d2):
    acc = None
    for g in range(8):
        r = [d2[8 * g + j : 8 * g + j + 1, :] for j in range(8)]
        t0 = r[0] + r[4]
        t1 = r[2] + r[6]
        t2 = r[1] + r[5]
        t3 = r[3] + r[7]
        gs = (t0 + t1) + (t2 + t3)
        acc = gs if acc is None else acc + gs
    return acc


def _vq_body(x_ref, cb_ref, idx_ref, loss_ref):
    x4 = x_ref[...]
    x = jnp.concatenate([x4[0], x4[1], x4[2], x4[3]], axis=1)
    cb = cb_ref[...]

    cb2 = jnp.sum(cb * cb, axis=1, keepdims=True)

    cb_hi = cb.astype(jnp.bfloat16)
    res = cb - cb_hi.astype(jnp.float32)
    cb_mid = res.astype(jnp.bfloat16)
    cb_lo = (res - cb_mid.astype(jnp.float32)).astype(jnp.bfloat16)

    xs = x * (-(2.0 ** 21))
    xh = xs.astype(jnp.bfloat16)
    xl = (xs - xh.astype(jnp.float32)).astype(jnp.bfloat16)
    s_hh = jax.lax.dot_general(
        cb_hi, xh, (((1,), (0,)), ((), ())),
        preferred_element_type=jnp.float32)
    c_cat = jnp.concatenate([cb_hi, cb_mid], axis=1)
    x_cat = jnp.concatenate([xl, xh], axis=0)
    s_x = jax.lax.dot_general(
        c_cat, x_cat, (((1,), (0,)), ((), ())),
        preferred_element_type=jnp.float32)
    s2 = (cb2 * (2.0 ** 20)) + (s_hh + s_x)

    kio = jax.lax.broadcasted_iota(jnp.int32, (_K, _N), 0)
    key = (s2.astype(jnp.int32) << 9) | kio

    g_cat = jnp.concatenate([cb_hi, cb_mid, cb_lo], axis=1)

    def _gather(onehot):
        p = jax.lax.dot_general(
            g_cat, onehot, (((0,), (0,)), ((), ())),
            preferred_element_type=jnp.float32)
        return (p[0:64] + p[64:128]) + p[128:192]

    best_d = None
    best_i = None
    best_g = None
    for t in range(_NCAND):
        mk = jnp.min(key, axis=0, keepdims=True)
        i_t = mk & 511
        eq = key == mk
        if t + 1 < _NCAND:
            key = jnp.where(eq, jnp.iinfo(jnp.int32).max, key)
        g_t = _gather(eq.astype(jnp.bfloat16))
        diff = x - g_t
        r_t = _grouped_tree_sum(diff * diff)
        if t == 0:
            best_d, best_i, best_g = r_t, i_t, g_t
        else:
            lt = (r_t < best_d) | ((r_t == best_d) & (i_t < best_i))
            best_d = jnp.where(lt, r_t, best_d)
            best_i = jnp.where(lt, i_t, best_i)
            best_g = jnp.where(lt, g_t, best_g)

    for b in range(_B):
        sl = slice(b * _HW, (b + 1) * _HW)
        idx_ref[b] = best_i[:, sl]

    loss_ref[...] = (jnp.sum(best_d, axis=1, keepdims=True)
                     * ((1.0 + _BETA) / (_N * _C)))


def kernel(inputs, codebook):
    shape = inputs.shape
    x = inputs.reshape(_B, _C, _HW)
    idx3, loss = pl.pallas_call(
        _vq_body,
        out_shape=[
            jax.ShapeDtypeStruct((_B, 1, _HW), jnp.int32),
            jax.ShapeDtypeStruct((1, 1), jnp.float32),
        ],
    )(x, codebook)
    cb_pad = jnp.concatenate(
        [codebook, jnp.zeros((_K, 128 - _C), jnp.float32)], axis=1)
    rows = _sc_gather(cb_pad, idx3.reshape(_N))[:, :_C]
    st = jnp.transpose(rows.reshape(_B, _HW, _C), (0, 2, 1))
    return (st.reshape(shape), idx3.reshape((_B,) + shape[2:]),
            loss.reshape(()))


def _sc_gather(codebook, idx_flat):
    info = plsc.get_sparse_core_info()
    nw = info.num_cores * info.num_subcores
    b_per_w = _N // nw
    mesh = plsc.VectorSubcoreMesh(core_axis_name="c", subcore_axis_name="s")

    @functools.partial(
        pl.kernel, mesh=mesh,
        out_type=jax.ShapeDtypeStruct((_N, 128), jnp.float32),
        scratch_types=[
            pltpu.VMEM((b_per_w,), jnp.int32),
            pltpu.VMEM((b_per_w, 128), jnp.float32),
            pltpu.SemaphoreType.DMA,
        ],
    )
    def k(table_hbm, idx_hbm, out_hbm, idx_v, rows_v, sem):
        wid = lax.axis_index("s") * info.num_cores + lax.axis_index("c")
        base = wid * b_per_w
        pltpu.sync_copy(idx_hbm.at[pl.ds(base, b_per_w)], idx_v)
        pltpu.async_copy(table_hbm.at[idx_v], rows_v, sem).wait()
        pltpu.sync_copy(rows_v, out_hbm.at[pl.ds(base, b_per_w)])

    return k(codebook, idx_flat)

# --- scband reference (transcript-rebuilt; emitter-appended) ---
"""Pipeline reference for scband-vector-quantization-77790447665490 (READ-ONLY COPY).

The authoritative reference and input builder live on the scoring server;
editing this copy changes nothing except your own understanding.
"""

import jax, jax.numpy as jnp
import numpy as np

BETA = 0.25
CODE_SIZE = 512
CODE_DIM = 64


def setup_inputs(seed: int = 0) -> dict:
    key = jax.random.key(seed)
    k1, k2 = jax.random.split(key)
    inputs = jax.random.normal(k1, (4, 64, 32, 32), dtype=jnp.float32)
    codebook = jax.random.uniform(
        k2, (CODE_SIZE, CODE_DIM), dtype=jnp.float32,
        minval=-1.0 / CODE_SIZE, maxval=1.0 / CODE_SIZE)
    return {"inputs": inputs, "codebook": codebook}


def reference(inputs, codebook):
    shape = inputs.shape
    B, C = shape[0], shape[1]
    # reshape(B, C, -1).permute(2, 0, 1).reshape(-1, C)
    out = inputs.reshape(B, C, -1)
    out = jnp.transpose(out, (2, 0, 1)).reshape(-1, C)
    # pairwise squared distances to codebook
    dist = ((out[:, None, :] - codebook[None, :, :]) ** 2).sum(axis=-1)
    indices = jnp.argmin(dist, axis=1)
    closest = jnp.take(codebook, indices, axis=0)
    assignment = ((jax.lax.stop_gradient(closest) - out) ** 2).mean()
    shift = ((jax.lax.stop_gradient(out) - closest) ** 2).mean()
    loss = assignment + BETA * shift
    # straight-through estimator: value of closest, gradient of out
    straight_through = out + jax.lax.stop_gradient(closest - out)
    st = straight_through.reshape(-1, B, C)
    st = jnp.transpose(st, (1, 2, 0)).reshape(shape)
    idx = indices.reshape(-1, B)
    idx = jnp.transpose(idx, (1, 0)).reshape((B,) + shape[2:])
    return (st, idx, loss)

if __name__ == "__main__":
    import jax
    _d = setup_inputs()
    print(jax.jit(kernel)(*tuple(_d.values())))

</pallas_src>

<mosaic_0001>
#map = affine_map<(d0, d1) -> (0, 0)>
#map1 = affine_map<(d0, d1) -> (0)>
module attributes {stable_mosaic.version = 14 : i64} {
  func.func @k(%arg0: i32, %arg1: i32, %arg2: memref<512x128xf32, #tpu.memory_space<hbm>>, %arg3: memref<4096xi32, #tpu.memory_space<hbm>>, %arg4: memref<4096x128xf32, #tpu.memory_space<hbm>>, %arg5: memref<128xi32, #tpu.memory_space<vmem>>, %arg6: memref<128x128xf32, #tpu.memory_space<vmem>>, %arg7: memref<!tpu.dma_semaphore, #tpu.memory_space<semaphore_mem>>) attributes {dimension_semantics = [#tpu.dimension_semantics<core_parallel>, #tpu.dimension_semantics<subcore_parallel>], iteration_bounds = array<i64: 2, 16>, scalar_prefetch = 0 : i64, scratch_operands = 3 : i64, tpu.core_type = #tpu.core_type<sc_vector_subcore>, window_params = [{transform_indices = #map}, {transform_indices = #map1}, {transform_indices = #map}]} {
    %mul3A = arith.constant 2 : i32
    %mul3A_0 = arith.muli %arg1, %mul3A : i32
    %add3A = arith.addi %mul3A_0, %arg0 : i32
    %mul3A_1 = arith.constant 128 : i32
    %mul3A_2 = arith.muli %add3A, %mul3A_1 : i32
    "tpu.region"() ({
      %run_scoped3A = tpu.sem_alloc : memref<!tpu.dma_semaphore, #tpu.memory_space<semaphore_mem>>
      %dma_start3A_7 = tpu.memref_slice %arg3[%mul3A_2] : memref<4096xi32, #tpu.memory_space<hbm>> -> memref<128xi32, #tpu.memory_space<hbm>>
      %dma_start3A_8 = tpu.memref_slice %arg3[%mul3A_2] : memref<4096xi32, #tpu.memory_space<hbm>> -> memref<128xi32, #tpu.memory_space<hbm>>
      tpu.enqueue_dma source(%dma_start3A_8 : memref<128xi32, #tpu.memory_space<hbm>>) target(%arg5 : memref<128xi32, #tpu.memory_space<vmem>>) target_semaphore(%run_scoped3A : memref<!tpu.dma_semaphore, #tpu.memory_space<semaphore_mem>>)
      %dma_wait3A_9 = tpu.memref_slice %arg3[%mul3A_2] : memref<4096xi32, #tpu.memory_space<hbm>> -> memref<128xi32, #tpu.memory_space<hbm>>
      %dma_wait3A_10 = tpu.memref_slice %arg3[%mul3A_2] : memref<4096xi32, #tpu.memory_space<hbm>> -> memref<128xi32, #tpu.memory_space<hbm>>
      tpu.wait_dma2 semaphore(%run_scoped3A : memref<!tpu.dma_semaphore, #tpu.memory_space<semaphore_mem>>) src(%dma_wait3A_10 : memref<128xi32, #tpu.memory_space<hbm>>) dst(%arg5 : memref<128xi32, #tpu.memory_space<vmem>>)
      tpu.yield
    }) : () -> ()
    %dma_start3A = arith.constant 0 : i32
    %dma_start3A_3 = arith.constant 0 : i32
    %dma_start3A_4 = tpu.memref_slice %arg2[%dma_start3A, %dma_start3A_3] : memref<512x128xf32, #tpu.memory_space<hbm>> -> memref<512x128xf32, #tpu.memory_space<hbm>>
    tpu.enqueue_indirect_dma source(%dma_start3A_4 : memref<512x128xf32, #tpu.memory_space<hbm>>) target(%arg6 : memref<128x128xf32, #tpu.memory_space<vmem>>) offsets(%arg5 : memref<128xi32, #tpu.memory_space<vmem>>) semaphore(%arg7 : memref<!tpu.dma_semaphore, #tpu.memory_space<semaphore_mem>>)
    %dma_wait3A = arith.constant 0 : i32
    %dma_wait3A_5 = arith.constant 0 : i32
    %dma_wait3A_6 = tpu.memref_slice %arg2[%dma_wait3A, %dma_wait3A_5] : memref<512x128xf32, #tpu.memory_space<hbm>> -> memref<512x128xf32, #tpu.memory_space<hbm>>
    tpu.wait_indirect_dma semaphore(%arg7 : memref<!tpu.dma_semaphore, #tpu.memory_space<semaphore_mem>>) src(%dma_wait3A_6 : memref<512x128xf32, #tpu.memory_space<hbm>>) dst(%arg6 : memref<128x128xf32, #tpu.memory_space<vmem>>)
    "tpu.region"() ({
      %run_scoped3A = tpu.sem_alloc : memref<!tpu.dma_semaphore, #tpu.memory_space<semaphore_mem>>
      %dma_start3A_7 = arith.constant 0 : i32
      %dma_start3A_8 = tpu.memref_slice %arg4[%mul3A_2, %dma_start3A_7] : memref<4096x128xf32, #tpu.memory_space<hbm>> -> memref<128x128xf32, #tpu.memory_space<hbm>>
      %dma_start3A_9 = arith.constant 0 : i32
      %dma_start3A_10 = tpu.memref_slice %arg4[%mul3A_2, %dma_start3A_9] : memref<4096x128xf32, #tpu.memory_space<hbm>> -> memref<128x128xf32, #tpu.memory_space<hbm>>
      tpu.enqueue_dma source(%arg6 : memref<128x128xf32, #tpu.memory_space<vmem>>) target(%dma_start3A_10 : memref<128x128xf32, #tpu.memory_space<hbm>>) target_semaphore(%run_scoped3A : memref<!tpu.dma_semaphore, #tpu.memory_space<semaphore_mem>>)
      %dma_wait3A_11 = arith.constant 0 : i32
      %dma_wait3A_12 = tpu.memref_slice %arg4[%mul3A_2, %dma_wait3A_11] : memref<4096x128xf32, #tpu.memory_space<hbm>> -> memref<128x128xf32, #tpu.memory_space<hbm>>
      %dma_wait3A_13 = arith.constant 0 : i32
      %dma_wait3A_14 = tpu.memref_slice %arg4[%mul3A_2, %dma_wait3A_13] : memref<4096x128xf32, #tpu.memory_space<hbm>> -> memref<128x128xf32, #tpu.memory_space<hbm>>
      tpu.wait_dma2 semaphore(%run_scoped3A : memref<!tpu.dma_semaphore, #tpu.memory_space<semaphore_mem>>) src(%arg6 : memref<128x128xf32, #tpu.memory_space<vmem>>) dst(%dma_wait3A_14 : memref<128x128xf32, #tpu.memory_space<hbm>>)
      tpu.yield
    }) : () -> ()
    return
  }
}

module attributes {stable_mosaic.version = 14 : i64} {
  func.func @_vq_body(%arg0: memref<4x64x1024xf32, #tpu.memory_space<vmem>>, %arg1: memref<512x64xf32, #tpu.memory_space<vmem>>, %arg2: memref<4x1x1024xi32, #tpu.memory_space<vmem>>, %arg3: memref<1x1xf32, #tpu.memory_space<vmem>>) attributes {dimension_semantics = [], scalar_prefetch = 0 : i64, scratch_operands = 0 : i64, tpu.core_type = #tpu.core_type<tc>} {
    %get3A = arith.constant 0 : index
    %get3A_0 = arith.constant 0 : index
    %get3A_1 = arith.constant 0 : index
    %get3A_2 = vector.load %arg0[%get3A, %get3A_0, %get3A_1] : memref<4x64x1024xf32, #tpu.memory_space<vmem>>, vector<4x64x1024xf32>
    %slice3A = vector.extract_strided_slice %get3A_2 {offsets = [0, 0, 0], sizes = [1, 64, 1024], strides = [1, 1, 1]} : vector<4x64x1024xf32> to vector<1x64x1024xf32>
    %squeeze3A = vector.shape_cast %slice3A : vector<1x64x1024xf32> to vector<64x1024xf32>
    %slice3A_3 = vector.extract_strided_slice %get3A_2 {offsets = [1, 0, 0], sizes = [1, 64, 1024], strides = [1, 1, 1]} : vector<4x64x1024xf32> to vector<1x64x1024xf32>
    %squeeze3A_4 = vector.shape_cast %slice3A_3 : vector<1x64x1024xf32> to vector<64x1024xf32>
    %slice3A_5 = vector.extract_strided_slice %get3A_2 {offsets = [2, 0, 0], sizes = [1, 64, 1024], strides = [1, 1, 1]} : vector<4x64x1024xf32> to vector<1x64x1024xf32>
    %squeeze3A_6 = vector.shape_cast %slice3A_5 : vector<1x64x1024xf32> to vector<64x1024xf32>
    %slice3A_7 = vector.extract_strided_slice %get3A_2 {offsets = [3, 0, 0], sizes = [1, 64, 1024], strides = [1, 1, 1]} : vector<4x64x1024xf32> to vector<1x64x1024xf32>
    %squeeze3A_8 = vector.shape_cast %slice3A_7 : vector<1x64x1024xf32> to vector<64x1024xf32>
    %concatenate3A = tpu.concatenate %squeeze3A, %squeeze3A_4, %squeeze3A_6, %squeeze3A_8 in 1 : vector<64x1024xf32>, vector<64x1024xf32>, vector<64x1024xf32>, vector<64x1024xf32> -> vector<64x4096xf32>
    %get3A_9 = arith.constant 0 : index
    %get3A_10 = arith.constant 0 : index
    %get3A_11 = vector.load %arg1[%get3A_9, %get3A_10] : memref<512x64xf32, #tpu.memory_space<vmem>>, vector<512x64xf32>
    %mul3A = arith.mulf %get3A_11, %get3A_11 : vector<512x64xf32>
    %reduce_sum3A = arith.constant dense<0.000000e+00> : vector<512xf32>
    %reduce_sum3A_12 = vector.multi_reduction <add>, %mul3A, %reduce_sum3A [1] : vector<512x64xf32> to vector<512xf32>
    %broadcast_in_dim3A = vector.shape_cast %reduce_sum3A_12 : vector<512xf32> to vector<512x1xf32>
    %convert_element_type3A = arith.truncf %get3A_11 : vector<512x64xf32> to vector<512x64xbf16>
    %convert_element_type3A_13 = arith.extf %convert_element_type3A : vector<512x64xbf16> to vector<512x64xf32>
    %sub3A = arith.subf %get3A_11, %convert_element_type3A_13 : vector<512x64xf32>
    %convert_element_type3A_14 = arith.truncf %sub3A : vector<512x64xf32> to vector<512x64xbf16>
    %convert_element_type3A_15 = arith.extf %convert_element_type3A_14 : vector<512x64xbf16> to vector<512x64xf32>
    %sub3A_16 = arith.subf %sub3A, %convert_element_type3A_15 : vector<512x64xf32>
    %convert_element_type3A_17 = arith.truncf %sub3A_16 : vector<512x64xf32> to vector<512x64xbf16>
    %mul3A_18 = arith.constant 0xCA000000 : f32
    %mul3A_19 = vector.broadcast %mul3A_18 : f32 to vector<64x4096xf32>
    %mul3A_20 = arith.mulf %concatenate3A, %mul3A_19 : vector<64x4096xf32>
    %convert_element_type3A_21 = arith.truncf %mul3A_20 : vector<64x4096xf32> to vector<64x4096xbf16>
    %convert_element_type3A_22 = arith.extf %convert_element_type3A_21 : vector<64x4096xbf16> to vector<64x4096xf32>
    %sub3A_23 = arith.subf %mul3A_20, %convert_element_type3A_22 : vector<64x4096xf32>
    %convert_element_type3A_24 = arith.truncf %sub3A_23 : vector<64x4096xf32> to vector<64x4096xbf16>
    %dot_general3A = arith.constant dense<0.000000e+00> : vector<512x4096xf32>
    %dot_general3A_25 = tpu.matmul %convert_element_type3A, %convert_element_type3A_21, %dot_general3A {dimension_numbers = #tpu.dot_dimension_numbers<[1], [0], [0], [1], [0, 0, 1, 1], [], []>, transpose_lhs_hint = false} : vector<512x64xbf16>, vector<64x4096xbf16>, vector<512x4096xf32> -> vector<512x4096xf32>
    %concatenate3A_26 = tpu.concatenate %convert_element_type3A, %convert_element_type3A_14 in 1 : vector<512x64xbf16>, vector<512x64xbf16> -> vector<512x128xbf16>
    %concatenate3A_27 = tpu.concatenate %convert_element_type3A_24, %convert_element_type3A_21 in 0 : vector<64x4096xbf16>, vector<64x4096xbf16> -> vector<128x4096xbf16>
    %dot_general3A_28 = arith.constant dense<0.000000e+00> : vector<512x4096xf32>
    %dot_general3A_29 = tpu.matmul %concatenate3A_26, %concatenate3A_27, %dot_general3A_28 {dimension_numbers = #tpu.dot_dimension_numbers<[1], [0], [0], [1], [0, 0, 1, 1], [], []>, transpose_lhs_hint = false} : vector<512x128xbf16>, vector<128x4096xbf16>, vector<512x4096xf32> -> vector<512x4096xf32>
    %mul3A_30 = arith.constant 0x49800000 : f32
    %mul3A_31 = vector.broadcast %mul3A_30 : f32 to vector<512x1xf32>
    %mul3A_32 = arith.mulf %broadcast_in_dim3A, %mul3A_31 : vector<512x1xf32>
    %add3A = arith.addf %dot_general3A_25, %dot_general3A_29 : vector<512x4096xf32>
    %add3A_33 = vector.broadcast %mul3A_32 : vector<512x1xf32> to vector<512x4096xf32>
    %add3A_34 = arith.addf %add3A_33, %add3A : vector<512x4096xf32>
    %iota3A = tpu.iota {dimensions = array<i32: 0>} : vector<512x4096xi32>
    %convert_element_type3A_35 = arith.fptosi %add3A_34 : vector<512x4096xf32> to vector<512x4096xi32>
    %shift_left3A = arith.constant 9 : i32
    %shift_left3A_36 = vector.broadcast %shift_left3A : i32 to vector<512x4096xi32>
    %shift_left3A_37 = arith.shli %convert_element_type3A_35, %shift_left3A_36 : vector<512x4096xi32>
    %or3A = arith.ori %shift_left3A_37, %iota3A : vector<512x4096xi32>
    %concatenate3A_38 = tpu.concatenate %convert_element_type3A, %convert_element_type3A_14, %convert_element_type3A_17 in 1 : vector<512x64xbf16>, vector<512x64xbf16>, vector<512x64xbf16> -> vector<512x192xbf16>
    %reduce_min3A = arith.constant dense<2147483647> : vector<4096xi32>
    %reduce_min3A_39 = vector.multi_reduction <minsi>, %or3A, %reduce_min3A [0] : vector<512x4096xi32> to vector<4096xi32>
    %broadcast_in_dim3A_40 = vector.shape_cast %reduce_min3A_39 : vector<4096xi32> to vector<1x4096xi32>
    %and3A = arith.constant 511 : i32
    %and3A_41 = vector.broadcast %and3A : i32 to vector<1x4096xi32>
    %and3A_42 = arith.andi %broadcast_in_dim3A_40, %and3A_41 : vector<1x4096xi32>
    %eq3A = vector.broadcast %broadcast_in_dim3A_40 : vector<1x4096xi32> to vector<512x4096xi32>
    %eq3A_43 = arith.cmpi eq, %or3A, %eq3A : vector<512x4096xi32>
    %jit3A = arith.constant 2147483647 : i32
    %broadcast_in_dim3A_44 = vector.broadcast %jit3A : i32 to vector<512x4096xi32>
    %select_n3A = arith.select %eq3A_43, %broadcast_in_dim3A_44, %or3A : vector<512x4096xi1>, vector<512x4096xi32>
    %convert_element_type3A_45 = arith.extui %eq3A_43 : vector<512x4096xi1> to vector<512x4096xi32>
    %convert_element_type3A_46 = arith.sitofp %convert_element_type3A_45 : vector<512x4096xi32> to vector<512x4096xf32>
    %convert_element_type3A_47 = arith.truncf %convert_element_type3A_46 : vector<512x4096xf32> to vector<512x4096xbf16>
    %dot_general3A_48 = arith.constant dense<0.000000e+00> : vector<192x4096xf32>
    %dot_general3A_49 = tpu.matmul %concatenate3A_38, %convert_element_type3A_47, %dot_general3A_48 {dimension_numbers = #tpu.dot_dimension_numbers<[0], [0], [1], [1], [0, 1, 1, 1], [], []>, transpose_lhs_hint = false} : vector<512x192xbf16>, vector<512x4096xbf16>, vector<192x4096xf32> -> vector<192x4096xf32>
    %slice3A_50 = vector.extract_strided_slice %dot_general3A_49 {offsets = [0, 0], sizes = [64, 4096], strides = [1, 1]} : vector<192x4096xf32> to vector<64x4096xf32>
    %slice3A_51 = vector.extract_strided_slice %dot_general3A_49 {offsets = [64, 0], sizes = [64, 4096], strides = [1, 1]} : vector<192x4096xf32> to vector<64x4096xf32>
    %add3A_52 = arith.addf %slice3A_50, %slice3A_51 : vector<64x4096xf32>
    %slice3A_53 = vector.extract_strided_slice %dot_general3A_49 {offsets = [128, 0], sizes = [64, 4096], strides = [1, 1]} : vector<192x4096xf32> to vector<64x4096xf32>
    %add3A_54 = arith.addf %add3A_52, %slice3A_53 : vector<64x4096xf32>
    %sub3A_55 = arith.subf %concatenate3A, %add3A_54 : vector<64x4096xf32>
    %mul3A_56 = arith.mulf %sub3A_55, %sub3A_55 : vector<64x4096xf32>
    %slice3A_57 = vector.extract_strided_slice %mul3A_56 {offsets = [0, 0], sizes = [1, 4096], strides = [1, 1]} : vector<64x4096xf32> to vector<1x4096xf32>
    %slice3A_58 = vector.extract_strided_slice %mul3A_56 {offsets = [1, 0], sizes = [1, 4096], strides = [1, 1]} : vector<64x4096xf32> to vector<1x4096xf32>
    %slice3A_59 = vector.extract_strided_slice %mul3A_56 {offsets = [2, 0], sizes = [1, 4096], strides = [1, 1]} : vector<64x4096xf32> to vector<1x4096xf32>
    %slice3A_60 = vector.extract_strided_slice %mul3A_56 {offsets = [3, 0], sizes = [1, 4096], strides = [1, 1]} : vector<64x4096xf32> to vector<1x4096xf32>
    %slice3A_61 = vector.extract_strided_slice %mul3A_56 {offsets = [4, 0], sizes = [1, 4096], strides = [1, 1]} : vector<64x4096xf32> to vector<1x4096xf32>
    %slice3A_62 = vector.extract_strided_slice %mul3A_56 {offsets = [5, 0], sizes = [1, 4096], strides = [1, 1]} : vector<64x4096xf32> to vector<1x4096xf32>
    %slice3A_63 = vector.extract_strided_slice %mul3A_56 {offsets = [6, 0], sizes = [1, 4096], strides = [1, 1]} : vector<64x4096xf32> to vector<1x4096xf32>
    %slice3A_64 = vector.extract_strided_slice %mul3A_56 {offsets = [7, 0], sizes = [1, 4096], strides = [1, 1]} : vector<64x4096xf32> to vector<1x4096xf32>
    %add3A_65 = arith.addf %slice3A_57, %slice3A_61 : vector<1x4096xf32>
    %add3A_66 = arith.addf %slice3A_59, %slice3A_63 : vector<1x4096xf32>
    %add3A_67 = arith.addf %slice3A_58, %slice3A_62 : vector<1x4096xf32>
    %add3A_68 = arith.addf %slice3A_60, %slice3A_64 : vector<1x4096xf32>
    %add3A_69 = arith.addf %add3A_65, %add3A_66 : vector<1x4096xf32>
    %add3A_70 = arith.addf %add3A_67, %add3A_68 : vector<1x4096xf32>
    %add3A_71 = arith.addf %add3A_69, %add3A_70 : vector<1x4096xf32>
    %slice3A_72 = vector.extract_strided_slice %mul3A_56 {offsets = [8, 0], sizes = [1, 4096], strides = [1, 1]} : vector<64x4096xf32> to vector<1x4096xf32>
    %slice3A_73 = vector.extract_strided_slice %mul3A_56 {offsets = [9, 0], sizes = [1, 4096], strides = [1, 1]} : vector<64x4096xf32> to vector<1x4096xf32>
    %slice3A_74 = vector.extract_strided_slice %mul3A_56 {offsets = [10, 0], sizes = [1, 4096], strides = [1, 1]} : vector<64x4096xf32> to vector<1x4096xf32>
    %slice3A_75 = vector.extract_strided_slice %mul3A_56 {offsets = [11, 0], sizes = [1, 4096], strides = [1, 1]} : vector<64x4096xf32> to vector<1x4096xf32>
    %slice3A_76 = vector.extract_strided_slice %mul3A_56 {offsets = [12, 0], sizes = [1, 4096], strides = [1, 1]} : vector<64x4096xf32> to vector<1x4096xf32>
    %slice3A_77 = vector.extract_strided_slice %mul3A_56 {offsets = [13, 0], sizes = [1, 4096], strides = [1, 1]} : vector<64x4096xf32> to vector<1x4096xf32>
    %slice3A_78 = vector.extract_strided_slice %mul3A_56 {offsets = [14, 0], sizes = [1, 4096], strides = [1, 1]} : vector<64x4096xf32> to vector<1x4096xf32>
    %slice3A_79 = vector.extract_strided_slice %mul3A_56 {offsets = [15, 0], sizes = [1, 4096], strides = [1, 1]} : vector<64x4096xf32> to vector<1x4096xf32>
    %add3A_80 = arith.addf %slice3A_72, %slice3A_76 : vector<1x4096xf32>
    %add3A_81 = arith.addf %slice3A_74, %slice3A_78 : vector<1x4096xf32>
    %add3A_82 = arith.addf %slice3A_73, %slice3A_77 : vector<1x4096xf32>
    %add3A_83 = arith.addf %slice3A_75, %slice3A_79 : vector<1x4096xf32>
    %add3A_84 = arith.addf %add3A_80, %add3A_81 : vector<1x4096xf32>
    %add3A_85 = arith.addf %add3A_82, %add3A_83 : vector<1x4096xf32>
    %add3A_86 = arith.addf %add3A_84, %add3A_85 : vector<1x4096xf32>
    %add3A_87 = arith.addf %add3A_71, %add3A_86 : vector<1x4096xf32>
    %slice3A_88 = vector.extract_strided_slice %mul3A_56 {offsets = [16, 0], sizes = [1, 4096], strides = [1, 1]} : vector<64x4096xf32> to vector<1x4096xf32>
    %slice3A_89 = vector.extract_strided_slice %mul3A_56 {offsets = [17, 0], sizes = [1, 4096], strides = [1, 1]} : vector<64x4096xf32> to vector<1x4096xf32>
    %slice3A_90 = vector.extract_strided_slice %mul3A_56 {offsets = [18, 0], sizes = [1, 4096], strides = [1, 1]} : vector<64x4096xf32> to vector<1x4096xf32>
    %slice3A_91 = vector.extract_strided_slice %mul3A_56 {offsets = [19, 0], sizes = [1, 4096], strides = [1, 1]} : vector<64x4096xf32> to vector<1x4096xf32>
    %slice3A_92 = vector.extract_strided_slice %mul3A_56 {offsets = [20, 0], sizes = [1, 4096], strides = [1, 1]} : vector<64x4096xf32> to vector<1x4096xf32>
    %slice3A_93 = vector.extract_strided_slice %mul3A_56 {offsets = [21, 0], sizes = [1, 4096], strides = [1, 1]} : vector<64x4096xf32> to vector<1x4096xf32>
    %slice3A_94 = vector.extract_strided_slice %mul3A_56 {offsets = [22, 0], sizes = [1, 4096], strides = [1, 1]} : vector<64x4096xf32> to vector<1x4096xf32>
    %slice3A_95 = vector.extract_strided_slice %mul3A_56 {offsets = [23, 0], sizes = [1, 4096], strides = [1, 1]} : vector<64x4096xf32> to vector<1x4096xf32>
    %add3A_96 = arith.addf %slice3A_88, %slice3A_92 : vector<1x4096xf32>
    %add3A_97 = arith.addf %slice3A_90, %slice3A_94 : vector<1x4096xf32>
    %add3A_98 = arith.addf %slice3A_89, %slice3A_93 : vector<1x4096xf32>
    %add3A_99 = arith.addf %slice3A_91, %slice3A_95 : vector<1x4096xf32>
    %add3A_100 = arith.addf %add3A_96, %add3A_97 : vector<1x4096xf32>
    %add3A_101 = arith.addf %add3A_98, %add3A_99 : vector<1x4096xf32>
    %add3A_102 = arith.addf %add3A_100, %add3A_101 : vector<1x4096xf32>
    %add3A_103 = arith.addf %add3A_87, %add3A_102 : vector<1x4096xf32>
    %slice3A_104 = vector.extract_strided_slice %mul3A_56 {offsets = [24, 0], sizes = [1, 4096], strides = [1, 1]} : vector<64x4096xf32> to vector<1x4096xf32>
    %slice3A_105 = vector.extract_strided_slice %mul3A_56 {offsets = [25, 0], sizes = [1, 4096], strides = [1, 1]} : vector<64x4096xf32> to vector<1x4096xf32>
    %slice3A_106 = vector.extract_strided_slice %mul3A_56 {offsets = [26, 0], sizes = [1, 4096], strides = [1, 1]} : vector<64x4096xf32> to vector<1x4096xf32>
    %slice3A_107 = vector.extract_strided_slice %mul3A_56 {offsets = [27, 0], sizes = [1, 4096], strides = [1, 1]} : vector<64x4096xf32> to vector<1x4096xf32>
    %slice3A_108 = vector.extract_strided_slice %mul3A_56 {offsets = [28, 0], sizes = [1, 4096], strides = [1, 1]} : vector<64x4096xf32> to vector<1x4096xf32>
    %slice3A_109 = vector.extract_strided_slice %mul3A_56 {offsets = [29, 0], sizes = [1, 4096], strides = [1, 1]} : vector<64x4096xf32> to vector<1x4096xf32>
    %slice3A_110 = vector.extract_strided_slice %mul3A_56 {offsets = [30, 0], sizes = [1, 4096], strides = [1, 1]} : vector<64x4096xf32> to vector<1x4096xf32>
    %slice3A_111 = vector.extract_strided_slice %mul3A_56 {offsets = [31, 0], sizes = [1, 4096], strides = [1, 1]} : vector<64x4096xf32> to vector<1x4096xf32>
    %add3A_112 = arith.addf %slice3A_104, %slice3A_108 : vector<1x4096xf32>
    %add3A_113 = arith.addf %slice3A_106, %slice3A_110 : vector<1x4096xf32>
    %add3A_114 = arith.addf %slice3A_105, %slice3A_109 : vector<1x4096xf32>
    %add3A_115 = arith.addf %slice3A_107, %slice3A_111 : vector<1x4096xf32>
    %add3A_116 = arith.addf %add3A_112, %add3A_113 : vector<1x4096xf32>
    %add3A_117 = arith.addf %add3A_114, %add3A_115 : vector<1x4096xf32>
    %add3A_118 = arith.addf %add3A_116, %add3A_117 : vector<1x4096xf32>
    %add3A_119 = arith.addf %add3A_103, %add3A_118 : vector<1x4096xf32>
    %slice3A_120 = vector.extract_strided_slice %mul3A_56 {offsets = [32, 0], sizes = [1, 4096], strides = [1, 1]} : vector<64x4096xf32> to vector<1x4096xf32>
    %slice3A_121 = vector.extract_strided_slice %mul3A_56 {offsets = [33, 0], sizes = [1, 4096], strides = [1, 1]} : vector<64x4096xf32> to vector<1x4096xf32>
    %slice3A_122 = vector.extract_strided_slice %mul3A_56 {offsets = [34, 0], sizes = [1, 4096], strides = [1, 1]} : vector<64x4096xf32> to vector<1x4096xf32>
    %slice3A_123 = vector.extract_strided_slice %mul3A_56 {offsets = [35, 0], sizes = [1, 4096], strides = [1, 1]} : vector<64x4096xf32> to vector<1x4096xf32>
    %slice3A_124 = vector.extract_strided_slice %mul3A_56 {offsets = [36, 0], sizes = [1, 4096], strides = [1, 1]} : vector<64x4096xf32> to vector<1x4096xf32>
    %slice3A_125 = vector.extract_strided_slice %mul3A_56 {offsets = [37, 0], sizes = [1, 4096], strides = [1, 1]} : vector<64x4096xf32> to vector<1x4096xf32>
    %slice3A_126 = vector.extract_strided_slice %mul3A_56 {offsets = [38, 0], sizes = [1, 4096], strides = [1, 1]} : vector<64x4096xf32> to vector<1x4096xf32>
    %slice3A_127 = vector.extract_strided_slice %mul3A_56 {offsets = [39, 0], sizes = [1, 4096], strides = [1, 1]} : vector<64x4096xf32> to vector<1x4096xf32>
    %add3A_128 = arith.addf %slice3A_120, %slice3A_124 : vector<1x4096xf32>
    %add3A_129 = arith.addf %slice3A_122, %slice3A_126 : vector<1x4096xf32>
    %add3A_130 = arith.addf %slice3A_121, %slice3A_125 : vector<1x4096xf32>
    %add3A_131 = arith.addf %slice3A_123, %slice3A_127 : vector<1x4096xf32>
    %add3A_132 = arith.addf %add3A_128, %add3A_129 : vector<1x4096xf32>
    %add3A_133 = arith.addf %add3A_130, %add3A_131 : vector<1x4096xf32>
    %add3A_134 = arith.addf %add3A_132, %add3A_133 : vector<1x4096xf32>
    %add3A_135 = arith.addf %add3A_119, %add3A_134 : vector<1x4096xf32>
    %slice3A_136 = vector.extract_strided_slice %mul3A_56 {offsets = [40, 0], sizes = [1, 4096], strides = [1, 1]} : vector<64x4096xf32> to vector<1x4096xf32>
    %slice3A_137 = vector.extract_strided_slice %mul3A_56 {offsets = [41, 0], sizes = [1, 4096], strides = [1, 1]} : vector<64x4096xf32> to vector<1x4096xf32>
    %slice3A_138 = vector.extract_strided_slice %mul3A_56 {offsets = [42, 0], sizes = [1, 4096], strides = [1, 1]} : vector<64x4096xf32> to vector<1x4096xf32>
    %slice3A_139 = vector.extract_strided_slice %mul3A_56 {offsets = [43, 0], sizes = [1, 4096], strides = [1, 1]} : vector<64x4096xf32> to vector<1x4096xf32>
    %slice3A_140 = vector.extract_strided_slice %mul3A_56 {offsets = [44, 0], sizes = [1, 4096], strides = [1, 1]} : vector<64x4096xf32> to vector<1x4096xf32>
    %slice3A_141 = vector.extract_strided_slice %mul3A_56 {offsets = [45, 0], sizes = [1, 4096], strides = [1, 1]} : vector<64x4096xf32> to vector<1x4096xf32>
    %slice3A_142 = vector.extract_strided_slice %mul3A_56 {offsets = [46, 0], sizes = [1, 4096], strides = [1, 1]} : vector<64x4096xf32> to vector<1x4096xf32>
    %slice3A_143 = vector.extract_strided_slice %mul3A_56 {offsets = [47, 0], sizes = [1, 4096], strides = [1, 1]} : vector<64x4096xf32> to vector<1x4096xf32>
    %add3A_144 = arith.addf %slice3A_136, %slice3A_140 : vector<1x4096xf32>
    %add3A_145 = arith.addf %slice3A_138, %slice3A_142 : vector<1x4096xf32>
    %add3A_146 = arith.addf %slice3A_137, %slice3A_141 : vector<1x4096xf32>
    %add3A_147 = arith.addf %slice3A_139, %slice3A_143 : vector<1x4096xf32>
    %add3A_148 = arith.addf %add3A_144, %add3A_145 : vector<1x4096xf32>
    %add3A_149 = arith.addf %add3A_146, %add3A_147 : vector<1x4096xf32>
    %add3A_150 = arith.addf %add3A_148, %add3A_149 : vector<1x4096xf32>
    %add3A_151 = arith.addf %add3A_135, %add3A_150 : vector<1x4096xf32>
    %slice3A_152 = vector.extract_strided_slice %mul3A_56 {offsets = [48, 0], sizes = [1, 4096], strides = [1, 1]} : vector<64x4096xf32> to vector<1x4096xf32>
    %slice3A_153 = vector.extract_strided_slice %mul3A_56 {offsets = [49, 0], sizes = [1, 4096], strides = [1, 1]} : vector<64x4096xf32> to vector<1x4096xf32>
    %slice3A_154 = vector.extract_strided_slice %mul3A_56 {offsets = [50, 0], sizes = [1, 4096], strides = [1, 1]} : vector<64x4096xf32> to vector<1x4096xf32>
    %slice3A_155 = vector.extract_strided_slice %mul3A_56 {offsets = [51, 0], sizes = [1, 4096], strides = [1, 1]} : vector<64x4096xf32> to vector<1x4096xf32>
    %slice3A_156 = vector.extract_strided_slice %mul3A_56 {offsets = [52, 0], sizes = [1, 4096], strides = [1, 1]} : vector<64x4096xf32> to vector<1x4096xf32>
    %slice3A_157 = vector.extract_strided_slice %mul3A_56 {offsets = [53, 0], sizes = [1, 4096], strides = [1, 1]} : vector<64x4096xf32> to vector<1x4096xf32>
    %slice3A_158 = vector.extract_strided_slice %mul3A_56 {offsets = [54, 0], sizes = [1, 4096], strides = [1, 1]} : vector<64x4096xf32> to vector<1x4096xf32>
    %slice3A_159 = vector.extract_strided_slice %mul3A_56 {offsets = [55, 0], sizes = [1, 4096], strides = [1, 1]} : vector<64x4096xf32> to vector<1x4096xf32>
    %add3A_160 = arith.addf %slice3A_152, %slice3A_156 : vector<1x4096xf32>
    %add3A_161 = arith.addf %slice3A_154, %slice3A_158 : vector<1x4096xf32>
    %add3A_162 = arith.addf %slice3A_153, %slice3A_157 : vector<1x4096xf32>
    %add3A_163 = arith.addf %slice3A_155, %slice3A_159 : vector<1x4096xf32>
    %add3A_164 = arith.addf %add3A_160, %add3A_161 : vector<1x4096xf32>
    %add3A_165 = arith.addf %add3A_162, %add3A_163 : vector<1x4096xf32>
    %add3A_166 = arith.addf %add3A_164, %add3A_165 : vector<1x4096xf32>
    %add3A_167 = arith.addf %add3A_151, %add3A_166 : vector<1x4096xf32>
    %slice3A_168 = vector.extract_strided_slice %mul3A_56 {offsets = [56, 0], sizes = [1, 4096], strides = [1, 1]} : vector<64x4096xf32> to vector<1x4096xf32>
    %slice3A_169 = vector.extract_strided_slice %mul3A_56 {offsets = [57, 0], sizes = [1, 4096], strides = [1, 1]} : vector<64x4096xf32> to vector<1x4096xf32>
    %slice3A_170 = vector.extract_strided_slice %mul3A_56 {offsets = [58, 0], sizes = [1, 4096], strides = [1, 1]} : vector<64x4096xf32> to vector<1x4096xf32>
    %slice3A_171 = vector.extract_strided_slice %mul3A_56 {offsets = [59, 0], sizes = [1, 4096], strides = [1, 1]} : vector<64x4096xf32> to vector<1x4096xf32>
    %slice3A_172 = vector.extract_strided_slice %mul3A_56 {offsets = [60, 0], sizes = [1, 4096], strides = [1, 1]} : vector<64x4096xf32> to vector<1x4096xf32>
    %slice3A_173 = vector.extract_strided_slice %mul3A_56 {offsets = [61, 0], sizes = [1, 4096], strides = [1, 1]} : vector<64x4096xf32> to vector<1x4096xf32>
    %slice3A_174 = vector.extract_strided_slice %mul3A_56 {offsets = [62, 0], sizes = [1, 4096], strides = [1, 1]} : vector<64x4096xf32> to vector<1x4096xf32>
    %slice3A_175 = vector.extract_strided_slice %mul3A_56 {offsets = [63, 0], sizes = [1, 4096], strides = [1, 1]} : vector<64x4096xf32> to vector<1x4096xf32>
    %add3A_176 = arith.addf %slice3A_168, %slice3A_172 : vector<1x4096xf32>
    %add3A_177 = arith.addf %slice3A_170, %slice3A_174 : vector<1x4096xf32>
    %add3A_178 = arith.addf %slice3A_169, %slice3A_173 : vector<1x4096xf32>
    %add3A_179 = arith.addf %slice3A_171, %slice3A_175 : vector<1x4096xf32>
    %add3A_180 = arith.addf %add3A_176, %add3A_177 : vector<1x4096xf32>
    %add3A_181 = arith.addf %add3A_178, %add3A_179 : vector<1x4096xf32>
    %add3A_182 = arith.addf %add3A_180, %add3A_181 : vector<1x4096xf32>
    %add3A_183 = arith.addf %add3A_167, %add3A_182 : vector<1x4096xf32>
    %reduce_min3A_184 = arith.constant dense<2147483647> : vector<4096xi32>
    %reduce_min3A_185 = vector.multi_reduction <minsi>, %select_n3A, %reduce_min3A_184 [0] : vector<512x4096xi32> to vector<4096xi32>
    %broadcast_in_dim3A_186 = vector.shape_cast %reduce_min3A_185 : vector<4096xi32> to vector<1x4096xi32>
    %and3A_187 = arith.constant 511 : i32
    %and3A_188 = vector.broadcast %and3A_187 : i32 to vector<1x4096xi32>
    %and3A_189 = arith.andi %broadcast_in_dim3A_186, %and3A_188 : vector<1x4096xi32>
    %eq3A_190 = vector.broadcast %broadcast_in_dim3A_186 : vector<1x4096xi32> to vector<512x4096xi32>
    %eq3A_191 = arith.cmpi eq, %select_n3A, %eq3A_190 : vector<512x4096xi32>
    %jit3A_192 = arith.constant 2147483647 : i32
    %broadcast_in_dim3A_193 = vector.broadcast %jit3A_192 : i32 to vector<512x4096xi32>
    %select_n3A_194 = arith.select %eq3A_191, %broadcast_in_dim3A_193, %select_n3A : vector<512x4096xi1>, vector<512x4096xi32>
    %convert_element_type3A_195 = arith.extui %eq3A_191 : vector<512x4096xi1> to vector<512x4096xi32>
    %convert_element_type3A_196 = arith.sitofp %convert_element_type3A_195 : vector<512x4096xi32> to vector<512x4096xf32>
    %convert_element_type3A_197 = arith.truncf %convert_element_type3A_196 : vector<512x4096xf32> to vector<512x4096xbf16>
    %dot_general3A_198 = arith.constant dense<0.000000e+00> : vector<192x4096xf32>
    %dot_general3A_199 = tpu.matmul %concatenate3A_38, %convert_element_type3A_197, %dot_general3A_198 {dimension_numbers = #tpu.dot_dimension_numbers<[0], [0], [1], [1], [0, 1, 1, 1], [], []>, transpose_lhs_hint = false} : vector<512x192xbf16>, vector<512x4096xbf16>, vector<192x4096xf32> -> vector<192x4096xf32>
    %slice3A_200 = vector.extract_strided_slice %dot_general3A_199 {offsets = [0, 0], sizes = [64, 4096], strides = [1, 1]} : vector<192x4096xf32> to vector<64x4096xf32>
    %slice3A_201 = vector.extract_strided_slice %dot_general3A_199 {offsets = [64, 0], sizes = [64, 4096], strides = [1, 1]} : vector<192x4096xf32> to vector<64x4096xf32>
    %add3A_202 = arith.addf %slice3A_200, %slice3A_201 : vector<64x4096xf32>
    %slice3A_203 = vector.extract_strided_slice %dot_general3A_199 {offsets = [128, 0], sizes = [64, 4096], strides = [1, 1]} : vector<192x4096xf32> to vector<64x4096xf32>
    %add3A_204 = arith.addf %add3A_202, %slice3A_203 : vector<64x4096xf32>
    %sub3A_205 = arith.subf %concatenate3A, %add3A_204 : vector<64x4096xf32>
    %mul3A_206 = arith.mulf %sub3A_205, %sub3A_205 : vector<64x4096xf32>
    %slice3A_207 = vector.extract_strided_slice %mul3A_206 {offsets = [0, 0], sizes = [1, 4096], strides = [1, 1]} : vector<64x4096xf32> to vector<1x4096xf32>
    %slice3A_208 = vector.extract_strided_slice %mul3A_206 {offsets = [1, 0], sizes = [1, 4096], strides = [1, 1]} : vector<64x4096xf32> to vector<1x4096xf32>
    %slice3A_209 = vector.extract_strided_slice %mul3A_206 {offsets = [2, 0], sizes = [1, 4096], strides = [1, 1]} : vector<64x4096xf32> to vector<1x4096xf32>
    %slice3A_210 = vector.extract_strided_slice %mul3A_206 {offsets = [3, 0], sizes = [1, 4096], strides = [1, 1]} : vector<64x4096xf32> to vector<1x4096xf32>
    %slice3A_211 = vector.extract_strided_slice %mul3A_206 {offsets = [4, 0], sizes = [1, 4096], strides = [1, 1]} : vector<64x4096xf32> to vector<1x4096xf32>
    %slice3A_212 = vector.extract_strided_slice %mul3A_206 {offsets = [5, 0], sizes = [1, 4096], strides = [1, 1]} : vector<64x4096xf32> to vector<1x4096xf32>
    %slice3A_213 = vector.extract_strided_slice %mul3A_206 {offsets = [6, 0], sizes = [1, 4096], strides = [1, 1]} : vector<64x4096xf32> to vector<1x4096xf32>
    %slice3A_214 = vector.extract_strided_slice %mul3A_206 {offsets = [7, 0], sizes = [1, 4096], strides = [1, 1]} : vector<64x4096xf32> to vector<1x4096xf32>
    %add3A_215 = arith.addf %slice3A_207, %slice3A_211 : vector<1x4096xf32>
    %add3A_216 = arith.addf %slice3A_209, %slice3A_213 : vector<1x4096xf32>
    %add3A_217 = arith.addf %slice3A_208, %slice3A_212 : vector<1x4096xf32>
    %add3A_218 = arith.addf %slice3A_210, %slice3A_214 : vector<1x4096xf32>
    %add3A_219 = arith.addf %add3A_215, %add3A_216 : vector<1x4096xf32>
    %add3A_220 = arith.addf %add3A_217, %add3A_218 : vector<1x4096xf32>
    %add3A_221 = arith.addf %add3A_219, %add3A_220 : vector<1x4096xf32>
    %slice3A_222 = vector.extract_strided_slice %mul3A_206 {offsets = [8, 0], sizes = [1, 4096], strides = [1, 1]} : vector<64x4096xf32> to vector<1x4096xf32>
    %slice3A_223 = vector.extract_strided_slice %mul3A_206 {offsets = [9, 0], sizes = [1, 4096], strides = [1, 1]} : vector<64x4096xf32> to vector<1x4096xf32>
    %slice3A_224 = vector.extract_strided_slice %mul3A_206 {offsets = [10, 0], sizes = [1, 4096], strides = [1, 1]} : vector<64x4096xf32> to vector<1x4096xf32>
    %slice3A_225 = vector.extract_strided_slice %mul3A_206 {offsets = [11, 0], sizes = [1, 4096], strides = [1, 1]} : vector<64x4096xf32> to vector<1x4096xf32>
    %slice3A_226 = vector.extract_strided_slice %mul3A_206 {offsets = [12, 0], sizes = [1, 4096], strides = [1, 1]} : vector<64x4096xf32> to vector<1x4096xf32>
    %slice3A_227 = vector.extract_strided_slice %mul3A_206 {offsets = [13, 0], sizes = [1, 4096], strides = [1, 1]} : vector<64x4096xf32> to vector<1x4096xf32>
    %slice3A_228 = vector.extract_strided_slice %mul3A_206 {offsets = [14, 0], sizes = [1, 4096], strides = [1, 1]} : vector<64x4096xf32> to vector<1x4096xf32>
    %slice3A_229 = vector.extract_strided_slice %mul3A_206 {offsets = [15, 0], sizes = [1, 4096], strides = [1, 1]} : vector<64x4096xf32> to vector<1x4096xf32>
    %add3A_230 = arith.addf %slice3A_222, %slice3A_226 : vector<1x4096xf32>
    %add3A_231 = arith.addf %slice3A_224, %slice3A_228 : vector<1x4096xf32>
    %add3A_232 = arith.addf %slice3A_223, %slice3A_227 : vector<1x4096xf32>
    %add3A_233 = arith.addf %slice3A_225, %slice3A_229 : vector<1x4096xf32>
    %add3A_234 = arith.addf %add3A_230, %add3A_231 : vector<1x4096xf32>
    %add3A_235 = arith.addf %add3A_232, %add3A_233 : vector<1x4096xf32>
    %add3A_236 = arith.addf %add3A_234, %add3A_235 : vector<1x4096xf32>
    %add3A_237 = arith.addf %add3A_221, %add3A_236 : vector<1x4096xf32>
    %slice3A_238 = vector.extract_strided_slice %mul3A_206 {offsets = [16, 0], sizes = [1, 4096], strides = [1, 1]} : vector<64x4096xf32> to vector<1x4096xf32>
    %slice3A_239 = vector.extract_strided_slice %mul3A_206 {offsets = [17, 0], sizes = [1, 4096], strides = [1, 1]} : vector<64x4096xf32> to vector<1x4096xf32>
    %slice3A_240 = vector.extract_strided_slice %mul3A_206 {offsets = [18, 0], sizes = [1, 4096], strides = [1, 1]} : vector<64x4096xf32> to vector<1x4096xf32>
    %slice3A_241 = vector.extract_strided_slice %mul3A_206 {offsets = [19, 0], sizes = [1, 4096], strides = [1, 1]} : vector<64x4096xf32> to vector<1x4096xf32>
    %slice3A_242 = vector.extract_strided_slice %mul3A_206 {offsets = [20, 0], sizes = [1, 4096], strides = [1, 1]} : vector<64x4096xf32> to vector<1x4096xf32>
    %slice3A_243 = vector.extract_strided_slice %mul3A_206 {offsets = [21, 0], sizes = [1, 4096], strides = [1, 1]} : vector<64x4096xf32> to vector<1x4096xf32>
    %slice3A_244 = vector.extract_strided_slice %mul3A_206 {offsets = [22, 0], sizes = [1, 4096], strides = [1, 1]} : vector<64x4096xf32> to vector<1x4096xf32>
    %slice3A_245 = vector.extract_strided_slice %mul3A_206 {offsets = [23, 0], sizes = [1, 4096], strides = [1, 1]} : vector<64x4096xf32> to vector<1x4096xf32>
    %add3A_246 = arith.addf %slice3A_238, %slice3A_242 : vector<1x4096xf32>
    %add3A_247 = arith.addf %slice3A_240, %slice3A_244 : vector<1x4096xf32>
    %add3A_248 = arith.addf %slice3A_239, %slice3A_243 : vector<1x4096xf32>
    %add3A_249 = arith.addf %slice3A_241, %slice3A_245 : vector<1x4096xf32>
    %add3A_250 = arith.addf %add3A_246, %add3A_247 : vector<1x4096xf32>
    %add3A_251 = arith.addf %add3A_248, %add3A_249 : vector<1x4096xf32>
    %add3A_252 = arith.addf %add3A_250, %add3A_251 : vector<1x4096xf32>
    %add3A_253 = arith.addf %add3A_237, %add3A_252 : vector<1x4096xf32>
    %slice3A_254 = vector.extract_strided_slice %mul3A_206 {offsets = [24, 0], sizes = [1, 4096], strides = [1, 1]} : vector<64x4096xf32> to vector<1x4096xf32>
    %slice3A_255 = vector.extract_strided_slice %mul3A_206 {offsets = [25, 0], sizes = [1, 4096], strides = [1, 1]} : vector<64x4096xf32> to vector<1x4096xf32>
    %slice3A_256 = vector.extract_strided_slice %mul3A_206 {offsets = [26, 0], sizes = [1, 4096], strides = [1, 1]} : vector<64x4096xf32> to vector<1x4096xf32>
    %slice3A_257 = vector.extract_strided_slice %mul3A_206 {offsets = [27, 0], sizes = [1, 4096], strides = [1, 1]} : vector<64x4096xf32> to vector<1x4096xf32>
    %slice3A_258 = vector.extract_strided_slice %mul3A_206 {offsets = [28, 0], sizes = [1, 4096], strides = [1, 1]} : vector<64x4096xf32> to vector<1x4096xf32>
    %slice3A_259 = vector.extract_strided_slice %mul3A_206 {offsets = [29, 0], sizes = [1, 4096], strides = [1, 1]} : vector<64x4096xf32> to vector<1x4096xf32>
    %slice3A_260 = vector.extract_strided_slice %mul3A_206 {offsets = [30, 0], sizes = [1, 4096], strides = [1, 1]} : vector<64x4096xf32> to vector<1x4096xf32>
    %slice3A_261 = vector.extract_strided_slice %mul3A_206 {offsets = [31, 0], sizes = [1, 4096], strides = [1, 1]} : vector<64x4096xf32> to vector<1x4096xf32>
    %add3A_262 = arith.addf %slice3A_254, %slice3A_258 : vector<1x4096xf32>
    %add3A_263 = arith.addf %slice3A_256, %slice3A_260 : vector<1x4096xf32>
    %add3A_264 = arith.addf %slice3A_255, %slice3A_259 : vector<1x4096xf32>
    %add3A_265 = arith.addf %slice3A_257, %slice3A_261 : vector<1x4096xf32>
    %add3A_266 = arith.addf %add3A_262, %add3A_263 : vector<1x4096xf32>
    %add3A_267 = arith.addf %add3A_264, %add3A_265 : vector<1x4096xf32>
    %add3A_268 = arith.addf %add3A_266, %add3A_267 : vector<1x4096xf32>
    %add3A_269 = arith.addf %add3A_253, %add3A_268 : vector<1x4096xf32>
    %slice3A_270 = vector.extract_strided_slice %mul3A_206 {offsets = [32, 0], sizes = [1, 4096], strides = [1, 1]} : vector<64x4096xf32> to vector<1x4096xf32>
    %slice3A_271 = vector.extract_strided_slice %mul3A_206 {offsets = [33, 0], sizes = [1, 4096], strides = [1, 1]} : vector<64x4096xf32> to vector<1x4096xf32>
    %slice3A_272 = vector.extract_strided_slice %mul3A_206 {offsets = [34, 0], sizes = [1, 4096], strides = [1, 1]} : vector<64x4096xf32> to vector<1x4096xf32>
    %slice3A_273 = vector.extract_strided_slice %mul3A_206 {offsets = [35, 0], sizes = [1, 4096], strides = [1, 1]} : vector<64x4096xf32> to vector<1x4096xf32>
    %slice3A_274 = vector.extract_strided_slice %mul3A_206 {offsets = [36, 0], sizes = [1, 4096], strides = [1, 1]} : vector<64x4096xf32> to vector<1x4096xf32>
    %slice3A_275 = vector.extract_strided_slice %mul3A_206 {offsets = [37, 0], sizes = [1, 4096], strides = [1, 1]} : vector<64x4096xf32> to vector<1x4096xf32>
    %slice3A_276 = vector.extract_strided_slice %mul3A_206 {offsets = [38, 0], sizes = [1, 4096], strides = [1, 1]} : vector<64x4096xf32> to vector<1x4096xf32>
    %slice3A_277 = vector.extract_strided_slice %mul3A_206 {offsets = [39, 0], sizes = [1, 4096], strides = [1, 1]} : vector<64x4096xf32> to vector<1x4096xf32>
    %add3A_278 = arith.addf %slice3A_270, %slice3A_274 : vector<1x4096xf32>
    %add3A_279 = arith.addf %slice3A_272, %slice3A_276 : vector<1x4096xf32>
    %add3A_280 = arith.addf %slice3A_271, %slice3A_275 : vector<1x4096xf32>
    %add3A_281 = arith.addf %slice3A_273, %slice3A_277 : vector<1x4096xf32>
    %add3A_282 = arith.addf %add3A_278, %add3A_279 : vector<1x4096xf32>
    %add3A_283 = arith.addf %add3A_280, %add3A_281 : vector<1x4096xf32>
    %add3A_284 = arith.addf %add3A_282, %add3A_283 : vector<1x4096xf32>
    %add3A_285 = arith.addf %add3A_269, %add3A_284 : vector<1x4096xf32>
    %slice3A_286 = vector.extract_strided_slice %mul3A_206 {offsets = [40, 0], sizes = [1, 4096], strides = [1, 1]} : vector<64x4096xf32> to vector<1x4096xf32>
    %slice3A_287 = vector.extract_strided_slice %mul3A_206 {offsets = [41, 0], sizes = [1, 4096], strides = [1, 1]} : vector<64x4096xf32> to vector<1x4096xf32>
    %slice3A_288 = vector.extract_strided_slice %mul3A_206 {offsets = [42, 0], sizes = [1, 4096], strides = [1, 1]} : vector<64x4096xf32> to vector<1x4096xf32>
    %slice3A_289 = vector.extract_strided_slice %mul3A_206 {offsets = [43, 0], sizes = [1, 4096], strides = [1, 1]} : vector<64x4096xf32> to vector<1x4096xf32>
    %slice3A_290 = vector.extract_strided_slice %mul3A_206 {offsets = [44, 0], sizes = [1, 4096], strides = [1, 1]} : vector<64x4096xf32> to vector<1x4096xf32>
    %slice3A_291 = vector.extract_strided_slice %mul3A_206 {offsets = [45, 0], sizes = [1, 4096], strides = [1, 1]} : vector<64x4096xf32> to vector<1x4096xf32>
    %slice3A_292 = vector.extract_strided_slice %mul3A_206 {offsets = [46, 0], sizes = [1, 4096], strides = [1, 1]} : vector<64x4096xf32> to vector<1x4096xf32>
    %slice3A_293 = vector.extract_strided_slice %mul3A_206 {offsets = [47, 0], sizes = [1, 4096], strides = [1, 1]} : vector<64x4096xf32> to vector<1x4096xf32>
    %add3A_294 = arith.addf %slice3A_286, %slice3A_290 : vector<1x4096xf32>
    %add3A_295 = arith.addf %slice3A_288, %slice3A_292 : vector<1x4096xf32>
    %add3A_296 = arith.addf %slice3A_287, %slice3A_291 : vector<1x4096xf32>
    %add3A_297 = arith.addf %slice3A_289, %slice3A_293 : vector<1x4096xf32>
    %add3A_298 = arith.addf %add3A_294, %add3A_295 : vector<1x4096xf32>
    %add3A_299 = arith.addf %add3A_296, %add3A_297 : vector<1x4096xf32>
    %add3A_300 = arith.addf %add3A_298, %add3A_299 : vector<1x4096xf32>
    %add3A_301 = arith.addf %add3A_285, %add3A_300 : vector<1x4096xf32>
    %slice3A_302 = vector.extract_strided_slice %mul3A_206 {offsets = [48, 0], sizes = [1, 4096], strides = [1, 1]} : vector<64x4096xf32> to vector<1x4096xf32>
    %slice3A_303 = vector.extract_strided_slice %mul3A_206 {offsets = [49, 0], sizes = [1, 4096], strides = [1, 1]} : vector<64x4096xf32> to vector<1x4096xf32>
    %slice3A_304 = vector.extract_strided_slice %mul3A_206 {offsets = [50, 0], sizes = [1, 4096], strides = [1, 1]} : vector<64x4096xf32> to vector<1x4096xf32>
    %slice3A_305 = vector.extract_strided_slice %mul3A_206 {offsets = [51, 0], sizes = [1, 4096], strides = [1, 1]} : vector<64x4096xf32> to vector<1x4096xf32>
    %slice3A_306 = vector.extract_strided_slice %mul3A_206 {offsets = [52, 0], sizes = [1, 4096], strides = [1, 1]} : vector<64x4096xf32> to vector<1x4096xf32>
    %slice3A_307 = vector.extract_strided_slice %mul3A_206 {offsets = [53, 0], sizes = [1, 4096], strides = [1, 1]} : vector<64x4096xf32> to vector<1x4096xf32>
    %slice3A_308 = vector.extract_strided_slice %mul3A_206 {offsets = [54, 0], sizes = [1, 4096], strides = [1, 1]} : vector<64x4096xf32> to vector<1x4096xf32>
    %slice3A_309 = vector.extract_strided_slice %mul3A_206 {offsets = [55, 0], sizes = [1, 4096], strides = [1, 1]} : vector<64x4096xf32> to vector<1x4096xf32>
    %add3A_310 = arith.addf %slice3A_302, %slice3A_306 : vector<1x4096xf32>
    %add3A_311 = arith.addf %slice3A_304, %slice3A_308 : vector<1x4096xf32>
    %add3A_312 = arith.addf %slice3A_303, %slice3A_307 : vector<1x4096xf32>
    %add3A_313 = arith.addf %slice3A_305, %slice3A_309 : vector<1x4096xf32>
    %add3A_314 = arith.addf %add3A_310, %add3A_311 : vector<1x4096xf32>
    %add3A_315 = arith.addf %add3A_312, %add3A_313 : vector<1x4096xf32>
    %add3A_316 = arith.addf %add3A_314, %add3A_315 : vector<1x4096xf32>
    %add3A_317 = arith.addf %add3A_301, %add3A_316 : vector<1x4096xf32>
    %slice3A_318 = vector.extract_strided_slice %mul3A_206 {offsets = [56, 0], sizes = [1, 4096], strides = [1, 1]} : vector<64x4096xf32> to vector<1x4096xf32>
    %slice3A_319 = vector.extract_strided_slice %mul3A_206 {offsets = [57, 0], sizes = [1, 4096], strides = [1, 1]} : vector<64x4096xf32> to vector<1x4096xf32>
    %slice3A_320 = vector.extract_strided_slice %mul3A_206 {offsets = [58, 0], sizes = [1, 4096], strides = [1, 1]} : vector<64x4096xf32> to vector<1x4096xf32>
    %slice3A_321 = vector.extract_strided_slice %mul3A_206 {offsets = [59, 0], sizes = [1, 4096], strides = [1, 1]} : vector<64x4096xf32> to vector<1x4096xf32>
    %slice3A_322 = vector.extract_strided_slice %mul3A_206 {offsets = [60, 0], sizes = [1, 4096], strides = [1, 1]} : vector<64x4096xf32> to vector<1x4096xf32>
    %slice3A_323 = vector.extract_strided_slice %mul3A_206 {offsets = [61, 0], sizes = [1, 4096], strides = [1, 1]} : vector<64x4096xf32> to vector<1x4096xf32>
    %slice3A_324 = vector.extract_strided_slice %mul3A_206 {offsets = [62, 0], sizes = [1, 4096], strides = [1, 1]} : vector<64x4096xf32> to vector<1x4096xf32>
    %slice3A_325 = vector.extract_strided_slice %mul3A_206 {offsets = [63, 0], sizes = [1, 4096], strides = [1, 1]} : vector<64x4096xf32> to vector<1x4096xf32>
    %add3A_326 = arith.addf %slice3A_318, %slice3A_322 : vector<1x4096xf32>
    %add3A_327 = arith.addf %slice3A_320, %slice3A_324 : vector<1x4096xf32>
    %add3A_328 = arith.addf %slice3A_319, %slice3A_323 : vector<1x4096xf32>
    %add3A_329 = arith.addf %slice3A_321, %slice3A_325 : vector<1x4096xf32>
    %add3A_330 = arith.addf %add3A_326, %add3A_327 : vector<1x4096xf32>
    %add3A_331 = arith.addf %add3A_328, %add3A_329 : vector<1x4096xf32>
    %add3A_332 = arith.addf %add3A_330, %add3A_331 : vector<1x4096xf32>
    %add3A_333 = arith.addf %add3A_317, %add3A_332 : vector<1x4096xf32>
    %lt3A = arith.cmpf olt, %add3A_333, %add3A_183 : vector<1x4096xf32>
    %eq3A_334 = arith.cmpf oeq, %add3A_333, %add3A_183 : vector<1x4096xf32>
    %lt3A_335 = arith.cmpi slt, %and3A_189, %and3A_42 : vector<1x4096xi32>
    %and3A_336 = arith.andi %eq3A_334, %lt3A_335 : vector<1x4096xi1>
    %or3A_337 = arith.ori %lt3A, %and3A_336 : vector<1x4096xi1>
    %select_n3A_338 = arith.select %or3A_337, %add3A_333, %add3A_183 : vector<1x4096xi1>, vector<1x4096xf32>
    %select_n3A_339 = arith.select %or3A_337, %and3A_189, %and3A_42 : vector<1x4096xi1>, vector<1x4096xi32>
    %reduce_min3A_340 = arith.constant dense<2147483647> : vector<4096xi32>
    %reduce_min3A_341 = vector.multi_reduction <minsi>, %select_n3A_194, %reduce_min3A_340 [0] : vector<512x4096xi32> to vector<4096xi32>
    %broadcast_in_dim3A_342 = vector.shape_cast %reduce_min3A_341 : vector<4096xi32> to vector<1x4096xi32>
    %and3A_343 = arith.constant 511 : i32
    %and3A_344 = vector.broadcast %and3A_343 : i32 to vector<1x4096xi32>
    %and3A_345 = arith.andi %broadcast_in_dim3A_342, %and3A_344 : vector<1x4096xi32>
    %eq3A_346 = vector.broadcast %broadcast_in_dim3A_342 : vector<1x4096xi32> to vector<512x4096xi32>
    %eq3A_347 = arith.cmpi eq, %select_n3A_194, %eq3A_346 : vector<512x4096xi32>
    %convert_element_type3A_348 = arith.extui %eq3A_347 : vector<512x4096xi1> to vector<512x4096xi32>
    %convert_element_type3A_349 = arith.sitofp %convert_element_type3A_348 : vector<512x4096xi32> to vector<512x4096xf32>
    %convert_element_type3A_350 = arith.truncf %convert_element_type3A_349 : vector<512x4096xf32> to vector<512x4096xbf16>
    %dot_general3A_351 = arith.constant dense<0.000000e+00> : vector<192x4096xf32>
    %dot_general3A_352 = tpu.matmul %concatenate3A_38, %convert_element_type3A_350, %dot_general3A_351 {dimension_numbers = #tpu.dot_dimension_numbers<[0], [0], [1], [1], [0, 1, 1, 1], [], []>, transpose_lhs_hint = false} : vector<512x192xbf16>, vector<512x4096xbf16>, vector<192x4096xf32> -> vector<192x4096xf32>
    %slice3A_353 = vector.extract_strided_slice %dot_general3A_352 {offsets = [0, 0], sizes = [64, 4096], strides = [1, 1]} : vector<192x4096xf32> to vector<64x4096xf32>
    %slice3A_354 = vector.extract_strided_slice %dot_general3A_352 {offsets = [64, 0], sizes = [64, 4096], strides = [1, 1]} : vector<192x4096xf32> to vector<64x4096xf32>
    %add3A_355 = arith.addf %slice3A_353, %slice3A_354 : vector<64x4096xf32>
    %slice3A_356 = vector.extract_strided_slice %dot_general3A_352 {offsets = [128, 0], sizes = [64, 4096], strides = [1, 1]} : vector<192x4096xf32> to vector<64x4096xf32>
    %add3A_357 = arith.addf %add3A_355, %slice3A_356 : vector<64x4096xf32>
    %sub3A_358 = arith.subf %concatenate3A, %add3A_357 : vector<64x4096xf32>
    %mul3A_359 = arith.mulf %sub3A_358, %sub3A_358 : vector<64x4096xf32>
    %slice3A_360 = vector.extract_strided_slice %mul3A_359 {offsets = [0, 0], sizes = [1, 4096], strides = [1, 1]} : vector<64x4096xf32> to vector<1x4096xf32>
    %slice3A_361 = vector.extract_strided_slice %mul3A_359 {offsets = [1, 0], sizes = [1, 4096], strides = [1, 1]} : vector<64x4096xf32> to vector<1x4096xf32>
    %slice3A_362 = vector.extract_strided_slice %mul3A_359 {offsets = [2, 0], sizes = [1, 4096], strides = [1, 1]} : vector<64x4096xf32> to vector<1x4096xf32>
    %slice3A_363 = vector.extract_strided_slice %mul3A_359 {offsets = [3, 0], sizes = [1, 4096], strides = [1, 1]} : vector<64x4096xf32> to vector<1x4096xf32>
    %slice3A_364 = vector.extract_strided_slice %mul3A_359 {offsets = [4, 0], sizes = [1, 4096], strides = [1, 1]} : vector<64x4096xf32> to vector<1x4096xf32>
    %slice3A_365 = vector.extract_strided_slice %mul3A_359 {offsets = [5, 0], sizes = [1, 4096], strides = [1, 1]} : vector<64x4096xf32> to vector<1x4096xf32>
    %slice3A_366 = vector.extract_strided_slice %mul3A_359 {offsets = [6, 0], sizes = [1, 4096], strides = [1, 1]} : vector<64x4096xf32> to vector<1x4096xf32>
    %slice3A_367 = vector.extract_strided_slice %mul3A_359 {offsets = [7, 0], sizes = [1, 4096], strides = [1, 1]} : vector<64x4096xf32> to vector<1x4096xf32>
    %add3A_368 = arith.addf %slice3A_360, %slice3A_364 : vector<1x4096xf32>
    %add3A_369 = arith.addf %slice3A_362, %slice3A_366 : vector<1x4096xf32>
    %add3A_370 = arith.addf %slice3A_361, %slice3A_365 : vector<1x4096xf32>
    %add3A_371 = arith.addf %slice3A_363, %slice3A_367 : vector<1x4096xf32>
    %add3A_372 = arith.addf %add3A_368, %add3A_369 : vector<1x4096xf32>
    %add3A_373 = arith.addf %add3A_370, %add3A_371 : vector<1x4096xf32>
    %add3A_374 = arith.addf %add3A_372, %add3A_373 : vector<1x4096xf32>
    %slice3A_375 = vector.extract_strided_slice %mul3A_359 {offsets = [8, 0], sizes = [1, 4096], strides = [1, 1]} : vector<64x4096xf32> to vector<1x4096xf32>
    %slice3A_376 = vector.extract_strided_slice %mul3A_359 {offsets = [9, 0], sizes = [1, 4096], strides = [1, 1]} : vector<64x4096xf32> to vector<1x4096xf32>
    %slice3A_377 = vector.extract_strided_slice %mul3A_359 {offsets = [10, 0], sizes = [1, 4096], strides = [1, 1]} : vector<64x4096xf32> to vector<1x4096xf32>
    %slice3A_378 = vector.extract_strided_slice %mul3A_359 {offsets = [11, 0], sizes = [1, 4096], strides = [1, 1]} : vector<64x4096xf32> to vector<1x4096xf32>
    %slice3A_379 = vector.extract_strided_slice %mul3A_359 {offsets = [12, 0], sizes = [1, 4096], strides = [1, 1]} : vector<64x4096xf32> to vector<1x4096xf32>
    %slice3A_380 = vector.extract_strided_slice %mul3A_359 {offsets = [13, 0], sizes = [1, 4096], strides = [1, 1]} : vector<64x4096xf32> to vector<1x4096xf32>
    %slice3A_381 = vector.extract_strided_slice %mul3A_359 {offsets = [14, 0], sizes = [1, 4096], strides = [1, 1]} : vector<64x4096xf32> to vector<1x4096xf32>
    %slice3A_382 = vector.extract_strided_slice %mul3A_359 {offsets = [15, 0], sizes = [1, 4096], strides = [1, 1]} : vector<64x4096xf32> to vector<1x4096xf32>
    %add3A_383 = arith.addf %slice3A_375, %slice3A_379 : vector<1x4096xf32>
    %add3A_384 = arith.addf %slice3A_377, %slice3A_381 : vector<1x4096xf32>
    %add3A_385 = arith.addf %slice3A_376, %slice3A_380 : vector<1x4096xf32>
    %add3A_386 = arith.addf %slice3A_378, %slice3A_382 : vector<1x4096xf32>
    %add3A_387 = arith.addf %add3A_383, %add3A_384 : vector<1x4096xf32>
    %add3A_388 = arith.addf %add3A_385, %add3A_386 : vector<1x4096xf32>
    %add3A_389 = arith.addf %add3A_387, %add3A_388 : vector<1x4096xf32>
    %add3A_390 = arith.addf %add3A_374, %add3A_389 : vector<1x4096xf32>
    %slice3A_391 = vector.extract_strided_slice %mul3A_359 {offsets = [16, 0], sizes = [1, 4096], strides = [1, 1]} : vector<64x4096xf32> to vector<1x4096xf32>
    %slice3A_392 = vector.extract_strided_slice %mul3A_359 {offsets = [17, 0], sizes = [1, 4096], strides = [1, 1]} : vector<64x4096xf32> to vector<1x4096xf32>
    %slice3A_393 = vector.extract_strided_slice %mul3A_359 {offsets = [18, 0], sizes = [1, 4096], strides = [1, 1]} : vector<64x4096xf32> to vector<1x4096xf32>
    %slice3A_394 = vector.extract_strided_slice %mul3A_359 {offsets = [19, 0], sizes = [1, 4096], strides = [1, 1]} : vector<64x4096xf32> to vector<1x4096xf32>
    %slice3A_395 = vector.extract_strided_slice %mul3A_359 {offsets = [20, 0], sizes = [1, 4096], strides = [1, 1]} : vector<64x4096xf32> to vector<1x4096xf32>
    %slice3A_396 = vector.extract_strided_slice %mul3A_359 {offsets = [21, 0], sizes = [1, 4096], strides = [1, 1]} : vector<64x4096xf32> to vector<1x4096xf32>
    %slice3A_397 = vector.extract_strided_slice %mul3A_359 {offsets = [22, 0], sizes = [1, 4096], strides = [1, 1]} : vector<64x4096xf32> to vector<1x4096xf32>
    %slice3A_398 = vector.extract_strided_slice %mul3A_359 {offsets = [23, 0], sizes = [1, 4096], strides = [1, 1]} : vector<64x4096xf32> to vector<1x4096xf32>
    %add3A_399 = arith.addf %slice3A_391, %slice3A_395 : vector<1x4096xf32>
    %add3A_400 = arith.addf %slice3A_393, %slice3A_397 : vector<1x4096xf32>
    %add3A_401 = arith.addf %slice3A_392, %slice3A_396 : vector<1x4096xf32>
    %add3A_402 = arith.addf %slice3A_394, %slice3A_398 : vector<1x4096xf32>
    %add3A_403 = arith.addf %add3A_399, %add3A_400 : vector<1x4096xf32>
    %add3A_404 = arith.addf %add3A_401, %add3A_402 : vector<1x4096xf32>
    %add3A_405 = arith.addf %add3A_403, %add3A_404 : vector<1x4096xf32>
    %add3A_406 = arith.addf %add3A_390, %add3A_405 : vector<1x4096xf32>
    %slice3A_407 = vector.extract_strided_slice %mul3A_359 {offsets = [24, 0], sizes = [1, 4096], strides = [1, 1]} : vector<64x4096xf32> to vector<1x4096xf32>
    %slice3A_408 = vector.extract_strided_slice %mul3A_359 {offsets = [25, 0], sizes = [1, 4096], strides = [1, 1]} : vector<64x4096xf32> to vector<1x4096xf32>
    %slice3A_409 = vector.extract_strided_slice %mul3A_359 {offsets = [26, 0], sizes = [1, 4096], strides = [1, 1]} : vector<64x4096xf32> to vector<1x4096xf32>
    %slice3A_410 = vector.extract_strided_slice %mul3A_359 {offsets = [27, 0], sizes = [1, 4096], strides = [1, 1]} : vector<64x4096xf32> to vector<1x4096xf32>
    %slice3A_411 = vector.extract_strided_slice %mul3A_359 {offsets = [28, 0], sizes = [1, 4096], strides = [1, 1]} : vector<64x4096xf32> to vector<1x4096xf32>
    %slice3A_412 = vector.extract_strided_slice %mul3A_359 {offsets = [29, 0], sizes = [1, 4096], strides = [1, 1]} : vector<64x4096xf32> to vector<1x4096xf32>
    %slice3A_413 = vector.extract_strided_slice %mul3A_359 {offsets = [30, 0], sizes = [1, 4096], strides = [1, 1]} : vector<64x4096xf32> to vector<1x4096xf32>
    %slice3A_414 = vector.extract_strided_slice %mul3A_359 {offsets = [31, 0], sizes = [1, 4096], strides = [1, 1]} : vector<64x4096xf32> to vector<1x4096xf32>
    %add3A_415 = arith.addf %slice3A_407, %slice3A_411 : vector<1x4096xf32>
    %add3A_416 = arith.addf %slice3A_409, %slice3A_413 : vector<1x4096xf32>
    %add3A_417 = arith.addf %slice3A_408, %slice3A_412 : vector<1x4096xf32>
    %add3A_418 = arith.addf %slice3A_410, %slice3A_414 : vector<1x4096xf32>
    %add3A_419 = arith.addf %add3A_415, %add3A_416 : vector<1x4096xf32>
    %add3A_420 = arith.addf %add3A_417, %add3A_418 : vector<1x4096xf32>
    %add3A_421 = arith.addf %add3A_419, %add3A_420 : vector<1x4096xf32>
    %add3A_422 = arith.addf %add3A_406, %add3A_421 : vector<1x4096xf32>
    %slice3A_423 = vector.extract_strided_slice %mul3A_359 {offsets = [32, 0], sizes = [1, 4096], strides = [1, 1]} : vector<64x4096xf32> to vector<1x4096xf32>
    %slice3A_424 = vector.extract_strided_slice %mul3A_359 {offsets = [33, 0], sizes = [1, 4096], strides = [1, 1]} : vector<64x4096xf32> to vector<1x4096xf32>
    %slice3A_425 = vector.extract_strided_slice %mul3A_359 {offsets = [34, 0], sizes = [1, 4096], strides = [1, 1]} : vector<64x4096xf32> to vector<1x4096xf32>
    %slice3A_426 = vector.extract_strided_slice %mul3A_359 {offsets = [35, 0], sizes = [1, 4096], strides = [1, 1]} : vector<64x4096xf32> to vector<1x4096xf32>
    %slice3A_427 = vector.extract_strided_slice %mul3A_359 {offsets = [36, 0], sizes = [1, 4096], strides = [1, 1]} : vector<64x4096xf32> to vector<1x4096xf32>
    %slice3A_428 = vector.extract_strided_slice %mul3A_359 {offsets = [37, 0], sizes = [1, 4096], strides = [1, 1]} : vector<64x4096xf32> to vector<1x4096xf32>
    %slice3A_429 = vector.extract_strided_slice %mul3A_359 {offsets = [38, 0], sizes = [1, 4096], strides = [1, 1]} : vector<64x4096xf32> to vector<1x4096xf32>
    %slice3A_430 = vector.extract_strided_slice %mul3A_359 {offsets = [39, 0], sizes = [1, 4096], strides = [1, 1]} : vector<64x4096xf32> to vector<1x4096xf32>
    %add3A_431 = arith.addf %slice3A_423, %slice3A_427 : vector<1x4096xf32>
    %add3A_432 = arith.addf %slice3A_425, %slice3A_429 : vector<1x4096xf32>
    %add3A_433 = arith.addf %slice3A_424, %slice3A_428 : vector<1x4096xf32>
    %add3A_434 = arith.addf %slice3A_426, %slice3A_430 : vector<1x4096xf32>
    %add3A_435 = arith.addf %add3A_431, %add3A_432 : vector<1x4096xf32>
    %add3A_436 = arith.addf %add3A_433, %add3A_434 : vector<1x4096xf32>
    %add3A_437 = arith.addf %add3A_435, %add3A_436 : vector<1x4096xf32>
    %add3A_438 = arith.addf %add3A_422, %add3A_437 : vector<1x4096xf32>
    %slice3A_439 = vector.extract_strided_slice %mul3A_359 {offsets = [40, 0], sizes = [1, 4096], strides = [1, 1]} : vector<64x4096xf32> to vector<1x4096xf32>
    %slice3A_440 = vector.extract_strided_slice %mul3A_359 {offsets = [41, 0], sizes = [1, 4096], strides = [1, 1]} : vector<64x4096xf32> to vector<1x4096xf32>
    %slice3A_441 = vector.extract_strided_slice %mul3A_359 {offsets = [42, 0], sizes = [1, 4096], strides = [1, 1]} : vector<64x4096xf32> to vector<1x4096xf32>
    %slice3A_442 = vector.extract_strided_slice %mul3A_359 {offsets = [43, 0], sizes = [1, 4096], strides = [1, 1]} : vector<64x4096xf32> to vector<1x4096xf32>
    %slice3A_443 = vector.extract_strided_slice %mul3A_359 {offsets = [44, 0], sizes = [1, 4096], strides = [1, 1]} : vector<64x4096xf32> to vector<1x4096xf32>
    %slice3A_444 = vector.extract_strided_slice %mul3A_359 {offsets = [45, 0], sizes = [1, 4096], strides = [1, 1]} : vector<64x4096xf32> to vector<1x4096xf32>
    %slice3A_445 = vector.extract_strided_slice %mul3A_359 {offsets = [46, 0], sizes = [1, 4096], strides = [1, 1]} : vector<64x4096xf32> to vector<1x4096xf32>
    %slice3A_446 = vector.extract_strided_slice %mul3A_359 {offsets = [47, 0], sizes = [1, 4096], strides = [1, 1]} : vector<64x4096xf32> to vector<1x4096xf32>
    %add3A_447 = arith.addf %slice3A_439, %slice3A_443 : vector<1x4096xf32>
    %add3A_448 = arith.addf %slice3A_441, %slice3A_445 : vector<1x4096xf32>
    %add3A_449 = arith.addf %slice3A_440, %slice3A_444 : vector<1x4096xf32>
    %add3A_450 = arith.addf %slice3A_442, %slice3A_446 : vector<1x4096xf32>
    %add3A_451 = arith.addf %add3A_447, %add3A_448 : vector<1x4096xf32>
    %add3A_452 = arith.addf %add3A_449, %add3A_450 : vector<1x4096xf32>
    %add3A_453 = arith.addf %add3A_451, %add3A_452 : vector<1x4096xf32>
    %add3A_454 = arith.addf %add3A_438, %add3A_453 : vector<1x4096xf32>
    %slice3A_455 = vector.extract_strided_slice %mul3A_359 {offsets = [48, 0], sizes = [1, 4096], strides = [1, 1]} : vector<64x4096xf32> to vector<1x4096xf32>
    %slice3A_456 = vector.extract_strided_slice %mul3A_359 {offsets = [49, 0], sizes = [1, 4096], strides = [1, 1]} : vector<64x4096xf32> to vector<1x4096xf32>
    %slice3A_457 = vector.extract_strided_slice %mul3A_359 {offsets = [50, 0], sizes = [1, 4096], strides = [1, 1]} : vector<64x4096xf32> to vector<1x4096xf32>
    %slice3A_458 = vector.extract_strided_slice %mul3A_359 {offsets = [51, 0], sizes = [1, 4096], strides = [1, 1]} : vector<64x4096xf32> to vector<1x4096xf32>
    %slice3A_459 = vector.extract_strided_slice %mul3A_359 {offsets = [52, 0], sizes = [1, 4096], strides = [1, 1]} : vector<64x4096xf32> to vector<1x4096xf32>
    %slice3A_460 = vector.extract_strided_slice %mul3A_359 {offsets = [53, 0], sizes = [1, 4096], strides = [1, 1]} : vector<64x4096xf32> to vector<1x4096xf32>
    %slice3A_461 = vector.extract_strided_slice %mul3A_359 {offsets = [54, 0], sizes = [1, 4096], strides = [1, 1]} : vector<64x4096xf32> to vector<1x4096xf32>
    %slice3A_462 = vector.extract_strided_slice %mul3A_359 {offsets = [55, 0], sizes = [1, 4096], strides = [1, 1]} : vector<64x4096xf32> to vector<1x4096xf32>
    %add3A_463 = arith.addf %slice3A_455, %slice3A_459 : vector<1x4096xf32>
    %add3A_464 = arith.addf %slice3A_457, %slice3A_461 : vector<1x4096xf32>
    %add3A_465 = arith.addf %slice3A_456, %slice3A_460 : vector<1x4096xf32>
    %add3A_466 = arith.addf %slice3A_458, %slice3A_462 : vector<1x4096xf32>
    %add3A_467 = arith.addf %add3A_463, %add3A_464 : vector<1x4096xf32>
    %add3A_468 = arith.addf %add3A_465, %add3A_466 : vector<1x4096xf32>
    %add3A_469 = arith.addf %add3A_467, %add3A_468 : vector<1x4096xf32>
    %add3A_470 = arith.addf %add3A_454, %add3A_469 : vector<1x4096xf32>
    %slice3A_471 = vector.extract_strided_slice %mul3A_359 {offsets = [56, 0], sizes = [1, 4096], strides = [1, 1]} : vector<64x4096xf32> to vector<1x4096xf32>
    %slice3A_472 = vector.extract_strided_slice %mul3A_359 {offsets = [57, 0], sizes = [1, 4096], strides = [1, 1]} : vector<64x4096xf32> to vector<1x4096xf32>
    %slice3A_473 = vector.extract_strided_slice %mul3A_359 {offsets = [58, 0], sizes = [1, 4096], strides = [1, 1]} : vector<64x4096xf32> to vector<1x4096xf32>
    %slice3A_474 = vector.extract_strided_slice %mul3A_359 {offsets = [59, 0], sizes = [1, 4096], strides = [1, 1]} : vector<64x4096xf32> to vector<1x4096xf32>
    %slice3A_475 = vector.extract_strided_slice %mul3A_359 {offsets = [60, 0], sizes = [1, 4096], strides = [1, 1]} : vector<64x4096xf32> to vector<1x4096xf32>
    %slice3A_476 = vector.extract_strided_slice %mul3A_359 {offsets = [61, 0], sizes = [1, 4096], strides = [1, 1]} : vector<64x4096xf32> to vector<1x4096xf32>
    %slice3A_477 = vector.extract_strided_slice %mul3A_359 {offsets = [62, 0], sizes = [1, 4096], strides = [1, 1]} : vector<64x4096xf32> to vector<1x4096xf32>
    %slice3A_478 = vector.extract_strided_slice %mul3A_359 {offsets = [63, 0], sizes = [1, 4096], strides = [1, 1]} : vector<64x4096xf32> to vector<1x4096xf32>
    %add3A_479 = arith.addf %slice3A_471, %slice3A_475 : vector<1x4096xf32>
    %add3A_480 = arith.addf %slice3A_473, %slice3A_477 : vector<1x4096xf32>
    %add3A_481 = arith.addf %slice3A_472, %slice3A_476 : vector<1x4096xf32>
    %add3A_482 = arith.addf %slice3A_474, %slice3A_478 : vector<1x4096xf32>
    %add3A_483 = arith.addf %add3A_479, %add3A_480 : vector<1x4096xf32>
    %add3A_484 = arith.addf %add3A_481, %add3A_482 : vector<1x4096xf32>
    %add3A_485 = arith.addf %add3A_483, %add3A_484 : vector<1x4096xf32>
    %add3A_486 = arith.addf %add3A_470, %add3A_485 : vector<1x4096xf32>
    %lt3A_487 = arith.cmpf olt, %add3A_486, %select_n3A_338 : vector<1x4096xf32>
    %eq3A_488 = arith.cmpf oeq, %add3A_486, %select_n3A_338 : vector<1x4096xf32>
    %lt3A_489 = arith.cmpi slt, %and3A_345, %select_n3A_339 : vector<1x4096xi32>
    %and3A_490 = arith.andi %eq3A_488, %lt3A_489 : vector<1x4096xi1>
    %or3A_491 = arith.ori %lt3A_487, %and3A_490 : vector<1x4096xi1>
    %select_n3A_492 = arith.select %or3A_491, %add3A_486, %select_n3A_338 : vector<1x4096xi1>, vector<1x4096xf32>
    %select_n3A_493 = arith.select %or3A_491, %and3A_345, %select_n3A_339 : vector<1x4096xi1>, vector<1x4096xi32>
    %slice3A_494 = vector.extract_strided_slice %select_n3A_493 {offsets = [0, 0], sizes = [1, 1024], strides = [1, 1]} : vector<1x4096xi32> to vector<1x1024xi32>
    %swap3A = arith.constant 0 : index
    %swap3A_495 = arith.constant 0 : index
    %swap3A_496 = arith.constant 0 : index
    %swap3A_497 = vector.load %arg2[%swap3A, %swap3A_495, %swap3A_496] : memref<4x1x1024xi32, #tpu.memory_space<vmem>>, vector<1x1x1024xi32>
    %swap3A_498 = vector.shape_cast %swap3A_497 : vector<1x1x1024xi32> to vector<1x1024xi32>
    %swap3A_499 = vector.shape_cast %slice3A_494 : vector<1x1024xi32> to vector<1x1x1024xi32>
    tpu.vector_store %arg2[%swap3A, %swap3A_495, %swap3A_496], %swap3A_499 {strides = array<i32>} : memref<4x1x1024xi32, #tpu.memory_space<vmem>>, vector<1x1x1024xi32>,
    %slice3A_500 = vector.extract_strided_slice %select_n3A_493 {offsets = [0, 1024], sizes = [1, 1024], strides = [1, 1]} : vector<1x4096xi32> to vector<1x1024xi32>
    %swap3A_501 = arith.constant 1 : index
    %swap3A_502 = arith.constant 0 : index
    %swap3A_503 = arith.constant 0 : index
    %swap3A_504 = vector.load %arg2[%swap3A_501, %swap3A_502, %swap3A_503] : memref<4x1x1024xi32, #tpu.memory_space<vmem>>, vector<1x1x1024xi32>
    %swap3A_505 = vector.shape_cast %swap3A_504 : vector<1x1x1024xi32> to vector<1x1024xi32>
    %swap3A_506 = vector.shape_cast %slice3A_500 : vector<1x1024xi32> to vector<1x1x1024xi32>
    tpu.vector_store %arg2[%swap3A_501, %swap3A_502, %swap3A_503], %swap3A_506 {strides = array<i32>} : memref<4x1x1024xi32, #tpu.memory_space<vmem>>, vector<1x1x1024xi32>,
    %slice3A_507 = vector.extract_strided_slice %select_n3A_493 {offsets = [0, 2048], sizes = [1, 1024], strides = [1, 1]} : vector<1x4096xi32> to vector<1x1024xi32>
    %swap3A_508 = arith.constant 2 : index
    %swap3A_509 = arith.constant 0 : index
    %swap3A_510 = arith.constant 0 : index
    %swap3A_511 = vector.load %arg2[%swap3A_508, %swap3A_509, %swap3A_510] : memref<4x1x1024xi32, #tpu.memory_space<vmem>>, vector<1x1x1024xi32>
    %swap3A_512 = vector.shape_cast %swap3A_511 : vector<1x1x1024xi32> to vector<1x1024xi32>
    %swap3A_513 = vector.shape_cast %slice3A_507 : vector<1x1024xi32> to vector<1x1x1024xi32>
    tpu.vector_store %arg2[%swap3A_508, %swap3A_509, %swap3A_510], %swap3A_513 {strides = array<i32>} : memref<4x1x1024xi32, #tpu.memory_space<vmem>>, vector<1x1x1024xi32>,
    %slice3A_514 = vector.extract_strided_slice %select_n3A_493 {offsets = [0, 3072], sizes = [1, 1024], strides = [1, 1]} : vector<1x4096xi32> to vector<1x1024xi32>
    %swap3A_515 = arith.constant 3 : index
    %swap3A_516 = arith.constant 0 : index
    %swap3A_517 = arith.constant 0 : index
    %swap3A_518 = vector.load %arg2[%swap3A_515, %swap3A_516, %swap3A_517] : memref<4x1x1024xi32, #tpu.memory_space<vmem>>, vector<1x1x1024xi32>
    %swap3A_519 = vector.shape_cast %swap3A_518 : vector<1x1x1024xi32> to vector<1x1024xi32>
    %swap3A_520 = vector.shape_cast %slice3A_514 : vector<1x1024xi32> to vector<1x1x1024xi32>
    tpu.vector_store %arg2[%swap3A_515, %swap3A_516, %swap3A_517], %swap3A_520 {strides = array<i32>} : memref<4x1x1024xi32, #tpu.memory_space<vmem>>, vector<1x1x1024xi32>,
    %reduce_sum3A_521 = arith.constant dense<0.000000e+00> : vector<1xf32>
    %reduce_sum3A_522 = vector.multi_reduction <add>, %select_n3A_492, %reduce_sum3A_521 [1] : vector<1x4096xf32> to vector<1xf32>
    %broadcast_in_dim3A_523 = vector.shape_cast %reduce_sum3A_522 : vector<1xf32> to vector<1x1xf32>
    %mul3A_524 = arith.constant 4.76837158E-6 : f32
    %mul3A_525 = vector.broadcast %mul3A_524 : f32 to vector<1x1xf32>
    %mul3A_526 = arith.mulf %broadcast_in_dim3A_523, %mul3A_525 : vector<1x1xf32>
    %swap3A_527 = arith.constant 0 : index
    %swap3A_528 = arith.constant 0 : index
    %swap3A_529 = vector.load %arg3[%swap3A_527, %swap3A_528] : memref<1x1xf32, #tpu.memory_space<vmem>>, vector<1x1xf32>
    tpu.vector_store %arg3[%swap3A_527, %swap3A_528], %mul3A_526 {strides = array<i32>} : memref<1x1xf32, #tpu.memory_space<vmem>>, vector<1x1xf32>,
    return
  }
}

</mosaic_0001>

<sc_bundles>
// kernel: kernel.4.cloned.1.call-start
scs
__scs_entry_jumppad:
0x0: {  	(pc) =	sbr.rel $0x88, $3  }
0x1: {  	(tag) =	ssettag $0x0;
	lr =	simm.s32 $0x1  }
0x2: {  	[smem:$0x3F9F] =	sst lr;
	_ =	strace $0xD0000000  }
0x3: {  	_ = 	snop  }
0x4: {  	_ = 	snop  }
0x5: {  	_ = 	snop  }
0x6: {  	_ = 	snop  }
0x7: {  	_ = 	snop  }
__scs_overlays_trampoline_lowered:
0x8: {  	[smem:$0x3FAE] =	sst s0  }
0x9: {  	[smem:$0x3FAF] =	sst s1  }
0xa: {  	[smem:$0x3FB0] =	sst s2  }
0xb: {  	[smem:$0x3FB1] =	sst s3  }
0xc: {  	[smem:$0x3FB2] =	sst s4  }
0xd: {  	[smem:$0x3FB3] =	sst s5  }
0xe: {  	[smem:$0x3FB4] =	sst s6  }
0xf: {  	[smem:$0x3FB5] =	sst s7  }
0x10: {  	[smem:$0x3FB6] =	sst s8  }
0x11: {  	[smem:$0x3FB7] =	sst s9;
	s0 =	simm.s32 @!p0 $0x0  }
0x12: {  	s1 =	sld [smem:$0x3F9D];
	s0 =	simm.s32 @p0 $0x1  }
0x13: {  	[smem:$0x3FB8] =	sst s0;
	s0 =	simm.s32 @!p1 $0x0  }
0x14: {  	s2 =	sld [smem:$0x3F9C];
	s0 =	simm.s32 @p1 $0x1  }
0x15: {  	[smem:$0x3FB9] =	sst s0;
	s0 =	simm.s32 @!p2 $0x0  }
0x16: {  	s3 =	sld [smem:$0x3FDB];
	s0 =	simm.s32 @p2 $0x1  }
0x17: {  	s4 =	simm.s32 $0x1BF5;
	[smem:$0x3FBB] =	sst s0  }
0x18: {  	s0 =	sld [smem:$0x3F9E];
	_ =	swait.ge [sflag:s4], $0x0  }
0x19: {  	s7 =	sld [smem:$0x3F9F]  }
0x1a: {  	s8 =	sadd.s32 $0xFFFFE003, lr  }
0x1b: {  	s9 =	sadd.s32 $0xFFFFFEF7, lr;
	s5 =	simm.s32 $0xFFFFFFFF;
	p2 =	slt.u32 s8, $0xFFFFF086  }
0x1c: {  	p1 =	slt.u32 s9, $0xF7A;
	s5 =	simm.s32 @!p2 $0x0  }
0x1d: {  	s5 =	simm.s32 @p1 $0x1;
	p0 =	seq.s32 s7, s2  }
0x1e: {  	s7 =	smul.u32 @!p0 $0xF7A, s2;
	p2 =	seq.s32 @!p0 s5, $0x0  }
0x1f: {  	s9 =	smul.u32 $0xF7A, s1;
	s8 =	simm.s32 @!p0 $0x1BF5;
	p2 =	por !p2, p0  }
0x20: {  	[sflag:s8] =	ssyncset.s32 @!p0 $0xFFFFF086;
	s6 =	sadd.s32 @!p0 s3, s7;
	s7 =	simm.s32 @!p0 $0x108  }
0x21: {  	s3 =	sadd.s32 s3, s9;
	s6 =	sadd.s32 @!p0 $0x88, s6;
	s7 =	simm.s32 @p2 $0x1082  }
0x22: {  	[simem:s7], [sflag:s8] =	dma.local @!p0 [hbm:s6], $0xF7A  }
0x23: {  	s9 =	sor.u32 $0xD0000000, s2;
	s6 =	simm.s32 $0x108;
	_ =	swait.ge @!p0 [sflag:s8], $0x0  }
0x24: {  	s3 =	sadd.s32 $0x88, s3;
	s6 =	simm.s32 @!p1 $0x1082;
	[sflag:s4] =	ssyncset.s32 $0xFFFFF086  }
0x25: {  	[simem:s6], [sflag:s4] =	dma.local [hbm:s3], $0xF7A  }
0x26: {  	[smem:$0x3F9F] =	sst s1;
	(tag) =	ssettag s2;
	_ =	strace s9  }
0x27: {  	s1 =	sld [smem:$0x3FAF]  }
0x28: {  	s2 =	sld [smem:$0x3FB0]  }
0x29: {  	s4 =	sld [smem:$0x3FB2]  }
0x2a: {  	p0 =	seq.s32 s5, $0x0;
	s5 =	sld [smem:$0x3FB3]  }
0x2b: {  	s6 =	sld [smem:$0x3FB4]  }
0x2c: {  	s7 =	sld [smem:$0x3FB5]  }
0x2d: {  	s3 =	simm.s32 $0x108;
	s8 =	sld [smem:$0x3FB6]  }
0x2e: {  	s3 =	simm.s32 @!p0 $0x1082;
	s9 =	sld [smem:$0x3FB7]  }
0x2f: {  	lr =	sadd.s32 s0, s3;
	s0 =	sld [smem:$0x3FAE]  }
0x30: {  	s3 =	sld [smem:$0x3FB1]  }
0x31: {  	[smem:$0x3FBA] =	sst s10  }
0x32: {  	s10 =	sld [smem:$0x3FB8];
	_ =	sdelay $0x3  }
0x33: {  	p0 =	seq.s32 s10, $0x1;
	s10 =	sld [smem:$0x3FBA];
	_ =	sdelay $0x3  }
0x34: {  	[smem:$0x3FBA] =	sst s10  }
0x35: {  	s10 =	sld [smem:$0x3FB9];
	_ =	sdelay $0x3  }
0x36: {  	p1 =	seq.s32 s10, $0x1;
	s10 =	sld [smem:$0x3FBA];
	_ =	sdelay $0x3  }
0x37: {  	[smem:$0x3FBA] =	sst s10  }
0x38: {  	s10 =	sld [smem:$0x3FBB]  }
0x39: {  	_ = 	snop;
	(pc) =	sbr.ind lr, $3  }
0x3a: {  	_ = 	snop  }
0x3b: {  	_ = 	snop  }
0x3c: {  	p2 =	seq.s32 s10, $0x1;
	s10 =	sld [smem:$0x3FBA]  }
0x3d: {  	_ =	shalt  }
0x3e: {  	_ =	shalt  }
0x3f: {  	_ =	shalt  }
0x40: {  	_ =	shalt  }
0x41: {  	_ =	shalt  }
0x42: {  	_ =	shalt  }
0x43: {  	_ =	shalt  }
0x44: {  	_ =	shalt  }
0x45: {  	_ =	shalt  }
0x46: {  	_ =	shalt  }
0x47: {  	_ =	shalt  }
0x48: {  	_ =	shalt  }
0x49: {  	_ =	shalt  }
0x4a: {  	_ =	shalt  }
0x4b: {  	_ =	shalt  }
0x4c: {  	_ =	shalt  }
0x4d: {  	_ =	shalt  }
0x4e: {  	_ =	shalt  }
0x4f: {  	_ =	shalt  }
0x50: {  	_ =	shalt  }
0x51: {  	_ =	shalt  }
0x52: {  	_ =	shalt  }
0x53: {  	_ =	shalt  }
0x54: {  	_ =	shalt  }
0x55: {  	_ =	shalt  }
0x56: {  	_ =	shalt  }
0x57: {  	_ =	shalt  }
0x58: {  	_ =	shalt  }
0x59: {  	_ =	shalt  }
0x5a: {  	_ =	shalt  }
0x5b: {  	_ =	shalt  }
0x5c: {  	_ =	shalt  }
0x5d: {  	_ =	shalt  }
0x5e: {  	_ =	shalt  }
0x5f: {  	_ =	shalt  }
0x60: {  	_ =	shalt  }
0x61: {  	_ =	shalt  }
0x62: {  	_ =	shalt  }
0x63: {  	_ =	shalt  }
0x64: {  	_ =	shalt  }
0x65: {  	_ =	shalt  }
0x66: {  	_ =	shalt  }
0x67: {  	_ =	shalt  }
0x68: {  	_ =	shalt  }
0x69: {  	_ =	shalt  }
0x6a: {  	_ =	shalt  }
0x6b: {  	_ =	shalt  }
0x6c: {  	_ =	shalt  }
0x6d: {  	_ =	shalt  }
0x6e: {  	_ =	shalt  }
0x6f: {  	_ =	shalt  }
0x70: {  	_ =	shalt  }
0x71: {  	_ =	shalt  }
0x72: {  	_ =	shalt  }
0x73: {  	_ =	shalt  }
0x74: {  	_ =	shalt  }
0x75: {  	_ =	shalt  }
0x76: {  	_ =	shalt  }
0x77: {  	_ =	shalt  }
0x78: {  	_ =	shalt  }
0x79: {  	_ =	shalt  }
0x7a: {  	_ =	shalt  }
0x7b: {  	_ =	shalt  }
0x7c: {  	_ =	shalt  }
0x7d: {  	_ =	shalt  }
0x7e: {  	_ =	shalt  }
0x7f: {  	_ =	shalt  }
0x80: {  	_ =	shalt  }
0x81: {  	_ =	shalt  }
0x82: {  	_ =	shalt  }
0x83: {  	_ =	shalt  }
0x84: {  	_ =	shalt  }
0x85: {  	_ =	shalt  }
0x86: {  	_ =	shalt  }
0x87: {  	_ =	shalt  }
.Lfunc_end0:
.L_simem_size_0:
called_computation_lowered:
.L_overlay_start_0:
0x88: {  	s2 =	sld [smem:$0x3FD9]  }
0x89: {  	s3 =	sld [smem:$0x3FFE];
	_ =	sdelay $0x1  }
0x8a: {  	s1 =	srdreg.scid  }
0x8b: {  	s0 =	sand.u32 $0x1, s1  }
0x8c: {  	s14 =	sshll.u32 s0, $0xA;
	s2 =	sadd.s32 s3, s2  }
0x8d: {  	s2 =	sadd.s32 s2, s14  }
0x8e: {  	[smem:$0x3FC6] =	sst s2  }
0x8f: {  	_ = 	snop  }
0x90: {  	s2 =	sld [smem:$0x3FD0];
	_ =	sdelay $0x2  }
0x91: {  	s15 =	simm.s32 $0xA;
	s4 =	simm.s32 $0x10  }
0x92: {  	[smem:s4], [sflag:s15] =	dma.local [hbm:s2], $0x1  }
0x93: {  	_ =	swait.eq [sflag:s15], $0x1  }
0x94: {  	[sflag:s15] =	ssyncset.done $0x0  }
0x95: {  	[sflag:s15] =	ssyncadd.s32 $0xFFFFFFFF  }
0x96: {  	s16 =	sld [smem:$0x10];
	(tm) =	ssettm $0x1  }
0x97: {  	s17 =	sld [smem:$0x3FFB];
	_ =	sdelay $0x3  }
0x98: {  	_ =	strace s17  }
0x99: {  	s3 =	sld [smem:$0x3FFC];
	_ =	sdelay $0x3  }
0x9a: {  	_ =	strace s3  }
0x9b: {  	s3 =	sld [smem:$0x3FFD];
	_ =	sdelay $0x3  }
0x9c: {  	_ =	strace s3  }
0x9d: {  	_ =	strace $0x8FFFFFFF  }
0x9e: {  	s18 =	sld [smem:$0x3FDB];
	_ =	sdelay $0x1  }
0x9f: {  	s19 =	simm.s32 $_scs_section_size  }
0xa0: {  	s5 =	simm.s32 $_size__tile_overlayer_lowered;
	s6 =	simm.s32 $_tile_overlayer_lowered  }
0xa1: {  	s22 =	simm.s32 $0x1BFF;
	s21 =	sshll.u32 s6, $0x1;
	s3 =	sadd.s32 s19, s18  }
0xa2: {  	s7 =	simm.s32 $0x0;
	s20 =	sshll.u32 s5, $0x1;
	s5 =	sadd.s32 s21, s3  }
0xa3: {  	[timem:s7], [sflag:s22] =	dma.local [hbm:s5], s20  }
0xa4: {  	_ =	swait.ge [sflag:s22], s20  }
0xa5: {  	s4 =	ssub.s32 $0x0, s20;
	[sflag:s22] =	ssyncset.done $0x0  }
0xa6: {  	[sflag:s22] =	ssyncadd.s32 s4;
	_ =	sdelay $0x1  }
0xa7: {  	s23 =	simm.s32 $0x1B8B  }
0xa8: {  	_ =	swait.ge [sflag:s23], $0x1  }
0xa9: {  	[sflag:s23] =	ssyncset.done $0x0  }
0xaa: {  	s25 =	simm.s32 $0x1B8E;
	s24 =	sld [smem:$0x3FFE];
	[sflag:s23] =	ssyncadd.s32 $0xFFFFFFFF  }
0xab: {  	s26 =	simm.s32 $execute0_lowered;
	[smem:$0x3FD2] =	sst s25  }
0xac: {  	s5 =	sshll.u32 s26, $0x1;
	_ =	strace $0x80000046;
	[dreg:$0x1] =	wrdreg $0xFFFFFFFF  }
0xad: {  	s28 =	simm.s32 $_size_execute0_lowered;
	s3 =	sadd.s32 s3, s5;
	[dreg:$0x0] =	wrdreg $0x0  }
0xae: {  	s5 =	sshll.u32 s28, $0x1;
	[dreg:$0x2] =	wrdreg s3  }
0xaf: {  	[dreg:$0x3] =	wrdreg s5  }
0xb0: {  	[dreg:$0x4] =	wrdreg $0xC0  }
0xb1: {  	_ =	task [dreg:s7], $0x5FFFF  }
0xb2: {  	[dreg:$0x1] =	wrdreg $0xFFFFFFFF  }
0xb3: {  	[dreg:$0x0] =	wrdreg $0x60  }
0xb4: {  	[dreg:$0x2] =	wrdreg s24  }
0xb5: {  	[dreg:$0x3] =	wrdreg s16  }
0xb6: {  	[dreg:$0x4] =	wrdreg $0x9  }
0xb7: {  	_ =	task.clear_ibuf [dreg:s7], $0x5FFFF;
	_ =	strace $0x90000046  }
0xb8: {  	s29 =	simm.s32 $0x9;
	_ =	strace $0x80000048  }
0xb9: {  	_ =	swait.ge [sflag:s29], $0x1  }
0xba: {  	[sflag:s29] =	ssyncadd.s32 $0xFFFFFFFF  }
0xbb: {  	_ =	strace $0x90000048  }
0xbc: {  	_ =	sfence  }
0xbd: {  	s30 =	sld [smem:$0x0];
	_ =	sdelay $0x2  }
0xbe: {  	s31 =	sshll.u32 s1, $0xD;
	s1 =	sshrl.u32 s1, $0x2  }
0xbf: {  	s3 =	sand.u32 $0x4000, s31;
	s1 =	sadd.s32 s1, s30  }
0xc0: {  	s0 =	sor.u32 s3, s0;
	s1 =	sshll.u32 s1, $0x11  }
0xc1: {  	s0 =	sor.u32 s1, s0  }
0xc2: {  	s0 =	sadd.s32 $0x8F2B, s0  }
0xc3: {  	[sflag:s0] =	ssyncadd.remote.s32 $0x1  }
0xc4: {  	_ =	sfence.sel $0xFFFF  }
0xc5: {  	[dreg:$0x0] =	wrdreg $0xFFFFFFFF;
	(pc) =	sbr.abs _section_cstart, $3  }
0xc6: {  	[dreg:$0x1] =	wrdreg $0xFFFFFFFF  }
0xc7: {  	_ =	task.clear_ibuf [dreg:s7], $0x2FFFF;
	_ =	strace $0x9FFFFFFF  }
0xc8: {  	(tm) =	ssettm $0x7FFFFFFF  }
0xc9: {  	_ =	shalt  }
tec
execute0_lowered:
.L_overlay_start_1:
0x0: {  	(tag) =	ssettag $0x1  }
0x1: {  	s1 =	srdreg.scid  }
0x2: {  	s0 =	stileid.u32;
	s6 =	sand.u32 $0x1, s1  }
0x3: {  	s5 =	rddreg [dreg:$0x0];
	s30 =	sshll.u32 s0, $0x8;
	s2 =	sshll.u32 s6, $0x7  }
0x4: {  	s8 =	rddreg [dreg:$0x1];
	s9 =	sor.u32 s2, s30  }
0x5: {  	s1 =	rddreg [dreg:$0x2];
	s2 =	simm.s32 $0x0;
	s3 =	sshrl.u32 s9, $0x3  }
0x6: {  	s10 =	ssub.s32 $0x2, s6;
	[smem:$0x7FF] =	sst s2;
	s3 =	sadd.s32 s3, s5  }
0x7: {  	_ =	strace $0x80000047;
	s4 =	sadd.s32 $0x600, s3;
	s3 =	simm.s32 $0x2  }
0x8: {  	[tilespmem:s2], [sflag:$0x2] =	stream.linear.gather [hbm4b:s4+s2], $0x80, $0x38;
	[tilespmem:$0x4080] =	vst v63  }
0x9: {  	s7 =	simm.s32 $0x1;
	s11 =	sshrl.u32 s10, $0x1;
	_ =	swait.ge [sflag:s3], $0x80  }
0xa: {  	s6 =	simm.s32 $0x80;
	s10 =	ssub.s32 s10, s11;
	[sflag:s3] =	ssyncset.done $0x0  }
0xb: {  	s5 =	sadd.s32 $0x800, s5;
	s31 =	smax.u32 s10, $0x1;
	[sflag:s3] =	ssyncadd.s32 $0xFFFFFF80  }
0xc: {  	[tilespmem:s6], [sflag:$0x1] =	stream.indirect.gather [hbm4b:s5+s6], $0x80, s2, s6, $0xb8;
	[tilespmem:$0x4080] =	vst v63  }
0xd: {  	p0 =	sne.s32 s31, $0x1;
	_ =	swait.ge [sflag:s7], $0x4000  }
.Ltmp0:
0xe: {  	s9 =	sshll.u32 s9, $0x4;
	[sflag:s7] =	ssyncset.done $0x0;
	(pc) =	sbr.rel @!p0 .LBB2_2-.Ltmp0, $4  }
0xf: {  	s8 =	sadd.s32 s8, s9;
	[sflag:s7] =	ssyncadd.s32 $0xFFFFC000  }
0x10: {  	[hbm4b:s8+s2] =	stream.linear.scatter [tilespmem:s6], [sflag:$0x2], $0x4000, $0x38;
	[tilespmem:$0x4080] =	vst v63  }
0x11: {  	_ =	swait.ge [sflag:s3], $0x4000  }
0x12: {  	s9 =	sadd.s32 $0xFFFFFFFF, s31;
	[sflag:s3] =	ssyncset.done $0x0  }
.LBB2_1:
0x13: {  	p0 =	sne.s32 s9, $0x1;
	s9 =	sadd.s32 $0xFFFFFFFF, s9;
	[sflag:s3] =	ssyncadd.s32 $0xFFFFC000  }
0x14: {  	[tilespmem:s2], [sflag:$0x2] =	stream.linear.gather [hbm4b:s4+s2], $0x80, $0x38;
	[tilespmem:$0x4080] =	vst v63  }
0x15: {  	_ =	swait.ge [sflag:s3], $0x80  }
0x16: {  	[sflag:s3] =	ssyncset.done $0x0  }
0x17: {  	[sflag:s3] =	ssyncadd.s32 $0xFFFFFF80  }
0x18: {  	[tilespmem:s6], [sflag:$0x1] =	stream.indirect.gather [hbm4b:s5+s6], $0x80, s2, s6, $0xb8;
	[tilespmem:$0x4080] =	vst v63  }
0x19: {  	_ =	swait.ge [sflag:s7], $0x4000  }
.Ltmp1:
0x1a: {  	[sflag:s7] =	ssyncset.done $0x0;
	(pc) =	sbr.rel @p0 .LBB2_1-.Ltmp1, $4  }
0x1b: {  	[sflag:s7] =	ssyncadd.s32 $0xFFFFC000  }
0x1c: {  	[hbm4b:s8+s2] =	stream.linear.scatter [tilespmem:s6], [sflag:$0x2], $0x4000, $0x38;
	[tilespmem:$0x4080] =	vst v63  }
0x1d: {  	_ =	swait.ge [sflag:s3], $0x4000  }
0x1e: {  	[sflag:s3] =	ssyncset.done $0x0  }
.LBB2_2:
0x1f: {  	[sflag:s3] =	ssyncadd.s32 $0xFFFFC000  }
0x20: {  	_ =	sfence.sel $0x180000  }
0x21: {  	[bflag:$0x0] =	sbarrier.arrive $0xFFFF  }
0x22: {  	p0 =	sne.s32 s0, $0x0;
	_ =	strace $0x90000047  }
0x23: {  	s0 =	sadd.s32 @!p0 $0x100000, s1;
	[bflag:$0x2] =	sbarrier.arrive $0xFFFF  }
0x24: {  	[sflag:s0] =	ssyncadd.tile.s32 @!p0 $0x1;
	_ =	shalt  }
.Lfunc_end2:
_tile_overlayer_lowered:
.L_overlay_start_2:
0x25: {  	(tag) =	ssettag $0x2  }
0x26: {  	s0 =	rddreg [dreg:$0x0];
	s2 =	stileid.u32  }
0x27: {  	s1 =	rddreg [dreg:$0x1];
	p0 =	sne.s32 s2, $0x0  }
0x28: {  	s3 =	rddreg [dreg:$0x2];
	[bflag:$0x3] =	sbarrier.arrive $0xFFFF;
	s2 =	simm.s32 @!p0 $0x1C02  }
0x29: {  	[timem:s3], [sflag:s2] =	dma.local @!p0 [hbm:s0], s1  }
0x2a: {  	s0 =	simm.s32 @!p0 $0x2  }
0x2b: {  	_ =	swait.ge @!p0 [sflag:s0], s1  }
0x2c: {  	s1 =	ssub.s32 @!p0 $0x0, s1;
	[sflag:s0] =	ssyncset.done @!p0 $0x0  }
0x2d: {  	[sflag:s0] =	ssyncadd.s32 @!p0 s1  }
0x2e: {  	[bflag:$0x3] =	sbarrier.arrive $0xFFFF  }
0x2f: {  	_ =	shalt  }

</sc_bundles>
